<compile_context>
chip_gen: v7x
topology: tpu7x:2x2x1
jax: 0.10.2.dev20260603
libtpu: 0.0.44.dev20260713+nightly
codegen_flags: <defaults>
</compile_context>

<pallas_src>
import functools

import jax
import jax.numpy as jnp
from jax import lax
from jax.experimental import pallas as pl
from jax.experimental.pallas import tpu as pltpu
from jax.experimental.pallas import tpu_sc as plsc

N_E = 320000
EMB = 128
H = 4
HD = EMB // H
N_SEG = 10000

NF = N_E * H
SEG_PAD = 10240
TBL = SEG_PAD * H

TILE = 12800

NC = 2
NS = 16
NW = NC * NS
CHUNK_F = NF // NW
SUB_F = 40000
ZTILE = TBL // NS


def _attn_exp_tc(q_ref, k_ref, aq_ref, ak_ref, b1_ref, w2b_ref, e_ref):
    x = jnp.dot(q_ref[...], aq_ref[...], preferred_element_type=jnp.float32)
    x = x + jnp.dot(k_ref[...], ak_ref[...], preferred_element_type=jnp.float32)
    x = x + b1_ref[...]
    y = jnp.where(x >= 0.0, x, 0.01 * x)
    aT = lax.dot_general(w2b_ref[...], y,
                         dimension_numbers=(((0,), (1,)), ((), ())),
                         preferred_element_type=jnp.float32)
    e_ref[...] = jnp.exp(aT)


def _seg_accum_sc_body(e_hbm, idxo_hbm, z_hbm, part_hbm, e_v, idx_v, s_sh):
    cid = lax.axis_index("c")
    sid = lax.axis_index("s")
    wid = sid * NC + cid
    pltpu.sync_copy(z_hbm.at[pl.ds(sid * ZTILE, ZTILE)],
                    s_sh.at[pl.ds(sid * ZTILE, ZTILE)])
    plsc.subcore_barrier()
    for sub in range(CHUNK_F // SUB_F):
        base_f = wid * CHUNK_F + sub * SUB_F
        pltpu.sync_copy(e_hbm.at[pl.ds(base_f, SUB_F)], e_v)
        pltpu.sync_copy(idxo_hbm.at[pl.ds(base_f, SUB_F)], idx_v)
        pltpu.sync_copy(e_v, s_sh.at[idx_v], add=True)
    plsc.subcore_barrier()
    pltpu.sync_copy(s_sh.at[pl.ds(sid * ZTILE, ZTILE)],
                    part_hbm.at[pl.ds(cid * TBL + sid * ZTILE, ZTILE)])


def _seg_norm_sc_body(e_hbm, idxo_hbm, part_hbm, out_hbm,
                      e_v, idx_v, s_v, r_v, t_v, s_sh):
    cid = lax.axis_index("c")
    sid = lax.axis_index("s")
    wid = sid * NC + cid
    pltpu.sync_copy(part_hbm.at[pl.ds(sid * ZTILE, ZTILE)], r_v)
    pltpu.sync_copy(part_hbm.at[pl.ds(TBL + sid * ZTILE, ZTILE)], t_v)

    @plsc.parallel_loop(0, ZTILE, 16, unroll=8)
    def rbody(i):
        r_v[pl.ds(i, 16)] = 1.0 / (r_v[pl.ds(i, 16)]
                                   + t_v[pl.ds(i, 16)] + 1e-16)
    pltpu.sync_copy(r_v, s_sh.at[pl.ds(sid * ZTILE, ZTILE)])
    plsc.subcore_barrier()
    for sub in range(CHUNK_F // SUB_F):
        base_f = wid * CHUNK_F + sub * SUB_F
        pltpu.sync_copy(e_hbm.at[pl.ds(base_f, SUB_F)], e_v)
        pltpu.sync_copy(idxo_hbm.at[pl.ds(base_f, SUB_F)], idx_v)
        pltpu.sync_copy(s_sh.at[idx_v], s_v)

        @plsc.parallel_loop(0, SUB_F, 16, unroll=8)
        def dbody(i):
            e_v[pl.ds(i, 16)] = e_v[pl.ds(i, 16)] * s_v[pl.ds(i, 16)]
        pltpu.sync_copy(e_v, out_hbm.at[pl.ds(base_f, SUB_F)])


@functools.lru_cache(maxsize=1)
def _make_sc_kernels():
    mesh = plsc.VectorSubcoreMesh(core_axis_name="c", subcore_axis_name="s")
    params = pltpu.CompilerParams(use_tc_tiling_on_sc=False)
    accum = pl.kernel(
        _seg_accum_sc_body,
        out_type=jax.ShapeDtypeStruct((NC * TBL,), jnp.float32),
        mesh=mesh,
        scratch_types=[
            pltpu.VMEM((SUB_F,), jnp.float32),
            pltpu.VMEM((SUB_F,), jnp.int32),
            pltpu.VMEM_SHARED((TBL,), jnp.float32),
        ],
        compiler_params=params,
    )
    norm = pl.kernel(
        _seg_norm_sc_body,
        out_type=jax.ShapeDtypeStruct((NF,), jnp.float32),
        mesh=mesh,
        scratch_types=[
            pltpu.VMEM((SUB_F,), jnp.float32),
            pltpu.VMEM((SUB_F,), jnp.int32),
            pltpu.VMEM((SUB_F,), jnp.float32),
            pltpu.VMEM((ZTILE,), jnp.float32),
            pltpu.VMEM((ZTILE,), jnp.float32),
            pltpu.VMEM_SHARED((TBL,), jnp.float32),
        ],
        compiler_params=params,
    )
    return accum, norm


def kernel(q, k, index, dim_size, W1, b1, w2):
    aq = W1[:, :EMB].T
    ak = W1[:, EMB:].T
    heads = jnp.arange(EMB, dtype=jnp.int32) // HD
    w2blk = jnp.where(heads[:, None] == jnp.arange(H, dtype=jnp.int32)[None, :],
                      w2.reshape(-1)[:, None], 0.0).astype(jnp.float32)

    e = pl.pallas_call(
        _attn_exp_tc,
        grid=(N_E // TILE,),
        in_specs=[
            pl.BlockSpec((TILE, EMB), lambda i: (i, 0)),
            pl.BlockSpec((TILE, EMB), lambda i: (i, 0)),
            pl.BlockSpec((EMB, EMB), lambda i: (0, 0)),
            pl.BlockSpec((EMB, EMB), lambda i: (0, 0)),
            pl.BlockSpec((1, EMB), lambda i: (0, 0)),
            pl.BlockSpec((EMB, H), lambda i: (0, 0)),
        ],
        out_specs=pl.BlockSpec((H, TILE), lambda i: (0, i)),
        out_shape=jax.ShapeDtypeStruct((H, N_E), jnp.float32),
    )(q, k, aq, ak, b1.reshape(1, EMB), w2blk)

    idx32 = index.astype(jnp.int32)
    idx_off = (idx32[None, :]
               + (jnp.arange(H, dtype=jnp.int32) * SEG_PAD)[:, None])
    zeros = jnp.zeros((TBL,), jnp.float32)
    accum, norm = _make_sc_kernels()
    e_flat = e.reshape(NF)
    idx_flat = idx_off.reshape(NF)
    partials = accum(e_flat, idx_flat, zeros)
    out = norm(e_flat, idx_flat, partials)
    return out.reshape(H, N_E).T[:, :, None]

# --- scband reference (transcript-rebuilt; emitter-appended) ---
"""Pipeline reference for scband-global-attn-11003706212375 (READ-ONLY COPY).

The authoritative reference and input builder live on the scoring server;
editing this copy changes nothing except your own understanding.
"""

import jax, jax.numpy as jnp
import numpy as np

N_NODES = 10000
N_EDGES = 320000
EMB = 128
H = 4
HD = EMB // H


def setup_inputs(seed: int = 0) -> dict:
    key = jax.random.key(seed)
    k1, k2, k3, k4, k5 = jax.random.split(key, 5)
    q = jax.random.normal(k1, (N_EDGES, EMB), dtype=jnp.float32)
    k = jax.random.normal(k2, (N_EDGES, EMB), dtype=jnp.float32)
    index = jnp.sort(jax.random.randint(k3, (N_EDGES,), 0, N_NODES, dtype=jnp.int64))
    # learned params: w1 Linear(2*emb_dim -> emb_dim), w2 [H, HD]
    W1 = jax.random.normal(k4, (EMB, 2 * EMB), dtype=jnp.float32) * (1.0 / np.sqrt(2 * EMB))
    b1 = jnp.zeros((EMB,), dtype=jnp.float32)
    w2 = jax.random.normal(k5, (H, HD), dtype=jnp.float32) * (1.0 / np.sqrt(HD))
    return {"q": q, "k": k, "index": index, "dim_size": N_NODES, "W1": W1, "b1": b1, "w2": w2}


def reference(q, k, index, dim_size, W1, b1, w2):
    # x = cat([q, k], dim=1); x = w1(x).view(-1, H, HD)
    x = jnp.concatenate([q, k], axis=1) @ W1.T + b1
    x = x.reshape(-1, H, HD)
    # leaky_relu (torch default negative_slope=0.01)
    x = jax.nn.leaky_relu(x, negative_slope=0.01)
    # attn_weight = einsum('nhc,hc->nh', x, w2).unsqueeze(-1)
    attn = jnp.einsum('nhc,hc->nh', x, w2)[..., None]
    # segment softmax over `index` (PyG-style softmax with dim_size segments)
    dim_size = jnp.asarray(dim_size)
    index = index + (dim_size - dim_size).astype(index.dtype)
    num_segments = N_NODES
    seg_max = jax.ops.segment_max(attn, index, num_segments=num_segments)
    seg_max = jnp.where(jnp.isfinite(seg_max), seg_max, 0.0)
    exps = jnp.exp(attn - seg_max[index])
    seg_sum = jax.ops.segment_sum(exps, index, num_segments=num_segments)
    attn_weight = exps / (seg_sum[index] + 1e-16)
    return attn_weight

if __name__ == "__main__":
    import jax
    _d = setup_inputs()
    print(jax.jit(kernel)(*tuple(_d.values())))

</pallas_src>

<mosaic_0001>
#map = affine_map<(d0, d1) -> (0)>
module attributes {stable_mosaic.version = 14 : i64} {
  func.func @_seg_norm_sc_body(%arg0: i32, %arg1: i32, %arg2: memref<1280000xf32, #tpu.memory_space<hbm>>, %arg3: memref<1280000xi32, #tpu.memory_space<hbm>>, %arg4: memref<81920xf32, #tpu.memory_space<hbm>>, %arg5: memref<1280000xf32, #tpu.memory_space<hbm>>, %arg6: memref<40000xf32, #tpu.memory_space<vmem>>, %arg7: memref<40000xi32, #tpu.memory_space<vmem>>, %arg8: memref<40000xf32, #tpu.memory_space<vmem>>, %arg9: memref<2560xf32, #tpu.memory_space<vmem>>, %arg10: memref<2560xf32, #tpu.memory_space<vmem>>, %arg11: memref<40960xf32, #tpu.memory_space<vmem_shared>>) attributes {dimension_semantics = [#tpu.dimension_semantics<core_parallel>, #tpu.dimension_semantics<subcore_parallel>], iteration_bounds = array<i64: 2, 16>, scalar_prefetch = 0 : i64, scratch_operands = 6 : i64, tpu.core_type = #tpu.core_type<sc_vector_subcore>, window_params = [{transform_indices = #map}, {transform_indices = #map}, {transform_indices = #map}, {transform_indices = #map}]} {
    %mul3A = arith.constant 2 : i32
    %mul3A_0 = arith.muli %arg1, %mul3A : i32
    %add3A = arith.addi %mul3A_0, %arg0 : i32
    %mul3A_1 = arith.constant 2560 : i32
    %mul3A_2 = arith.muli %arg1, %mul3A_1 : i32
    "tpu.region"() ({
      %run_scoped3A = tpu.sem_alloc : memref<!tpu.dma_semaphore, #tpu.memory_space<semaphore_mem>>
      %dma_start3A = tpu.memref_slice %arg4[%mul3A_2] : memref<81920xf32, #tpu.memory_space<hbm>> -> memref<2560xf32, #tpu.memory_space<hbm>>
      %dma_start3A_18 = tpu.memref_slice %arg4[%mul3A_2] : memref<81920xf32, #tpu.memory_space<hbm>> -> memref<2560xf32, #tpu.memory_space<hbm>>
      tpu.enqueue_dma source(%dma_start3A_18 : memref<2560xf32, #tpu.memory_space<hbm>>) target(%arg9 : memref<2560xf32, #tpu.memory_space<vmem>>) target_semaphore(%run_scoped3A : memref<!tpu.dma_semaphore, #tpu.memory_space<semaphore_mem>>)
      %dma_wait3A = tpu.memref_slice %arg4[%mul3A_2] : memref<81920xf32, #tpu.memory_space<hbm>> -> memref<2560xf32, #tpu.memory_space<hbm>>
      %dma_wait3A_19 = tpu.memref_slice %arg4[%mul3A_2] : memref<81920xf32, #tpu.memory_space<hbm>> -> memref<2560xf32, #tpu.memory_space<hbm>>
      tpu.wait_dma2 semaphore(%run_scoped3A : memref<!tpu.dma_semaphore, #tpu.memory_space<semaphore_mem>>) src(%dma_wait3A_19 : memref<2560xf32, #tpu.memory_space<hbm>>) dst(%arg9 : memref<2560xf32, #tpu.memory_space<vmem>>)
      tpu.yield
    }) : () -> ()
    %mul3A_3 = arith.constant 2560 : i32
    %mul3A_4 = arith.muli %arg1, %mul3A_3 : i32
    %add3A_5 = arith.constant 40960 : i32
    %add3A_6 = arith.addi %add3A_5, %mul3A_4 : i32
    "tpu.region"() ({
      %run_scoped3A = tpu.sem_alloc : memref<!tpu.dma_semaphore, #tpu.memory_space<semaphore_mem>>
      %dma_start3A = tpu.memref_slice %arg4[%add3A_6] : memref<81920xf32, #tpu.memory_space<hbm>> -> memref<2560xf32, #tpu.memory_space<hbm>>
      %dma_start3A_18 = tpu.memref_slice %arg4[%add3A_6] : memref<81920xf32, #tpu.memory_space<hbm>> -> memref<2560xf32, #tpu.memory_space<hbm>>
      tpu.enqueue_dma source(%dma_start3A_18 : memref<2560xf32, #tpu.memory_space<hbm>>) target(%arg10 : memref<2560xf32, #tpu.memory_space<vmem>>) target_semaphore(%run_scoped3A : memref<!tpu.dma_semaphore, #tpu.memory_space<semaphore_mem>>)
      %dma_wait3A = tpu.memref_slice %arg4[%add3A_6] : memref<81920xf32, #tpu.memory_space<hbm>> -> memref<2560xf32, #tpu.memory_space<hbm>>
      %dma_wait3A_19 = tpu.memref_slice %arg4[%add3A_6] : memref<81920xf32, #tpu.memory_space<hbm>> -> memref<2560xf32, #tpu.memory_space<hbm>>
      tpu.wait_dma2 semaphore(%run_scoped3A : memref<!tpu.dma_semaphore, #tpu.memory_space<semaphore_mem>>) src(%dma_wait3A_19 : memref<2560xf32, #tpu.memory_space<hbm>>) dst(%arg10 : memref<2560xf32, #tpu.memory_space<vmem>>)
      tpu.yield
    }) : () -> ()
    %parallel_loop3A = arith.constant 0 : i32
    %parallel_loop3A_7 = arith.constant 2560 : i32
    %parallel_loop3A_8 = arith.constant 16 : i32
    scf.for %parallel_loop3A_18 = %parallel_loop3A to %parallel_loop3A_7 step %parallel_loop3A_8  : i32 {
      %parallel_loop3A_19 = arith.index_cast %parallel_loop3A_18 : i32 to index
      %parallel_loop3A_20 = tpu.vector_load %arg9[%parallel_loop3A_19] {strides = array<i32>} : memref<2560xf32, #tpu.memory_space<vmem>>, vector<16xf32>,
      %parallel_loop3A_21 = vector.shape_cast %parallel_loop3A_20 : vector<16xf32> to vector<16xf32>
      %parallel_loop3A_22 = arith.index_cast %parallel_loop3A_18 : i32 to index
      %parallel_loop3A_23 = tpu.vector_load %arg10[%parallel_loop3A_22] {strides = array<i32>} : memref<2560xf32, #tpu.memory_space<vmem>>, vector<16xf32>,
      %parallel_loop3A_24 = vector.shape_cast %parallel_loop3A_23 : vector<16xf32> to vector<16xf32>
      %parallel_loop3A_25 = arith.addf %parallel_loop3A_21, %parallel_loop3A_24 : vector<16xf32>
      %parallel_loop3A_26 = arith.constant 1.000000e-16 : f32
      %parallel_loop3A_27 = vector.broadcast %parallel_loop3A_26 : f32 to vector<16xf32>
      %parallel_loop3A_28 = arith.addf %parallel_loop3A_25, %parallel_loop3A_27 : vector<16xf32>
      %parallel_loop3A_29 = arith.constant 1.000000e+00 : f32
      %parallel_loop3A_30 = vector.broadcast %parallel_loop3A_29 : f32 to vector<16xf32>
      %parallel_loop3A_31 = arith.divf %parallel_loop3A_30, %parallel_loop3A_28 : vector<16xf32>
      %parallel_loop3A_32 = arith.index_cast %parallel_loop3A_18 : i32 to index
      %parallel_loop3A_33 = tpu.vector_load %arg9[%parallel_loop3A_32] {strides = array<i32>} : memref<2560xf32, #tpu.memory_space<vmem>>, vector<16xf32>,
      %parallel_loop3A_34 = vector.shape_cast %parallel_loop3A_33 : vector<16xf32> to vector<16xf32>
      %parallel_loop3A_35 = vector.shape_cast %parallel_loop3A_31 : vector<16xf32> to vector<16xf32>
      tpu.vector_store %arg9[%parallel_loop3A_32], %parallel_loop3A_35 {strides = array<i32>} : memref<2560xf32, #tpu.memory_space<vmem>>, vector<16xf32>,
    } {sc.loop_unroll_factor = 8 : i64, sc.parallel_access}
    %mul3A_9 = arith.constant 2560 : i32
    %mul3A_10 = arith.muli %arg1, %mul3A_9 : i32
    "tpu.region"() ({
      %run_scoped3A = tpu.sem_alloc : memref<!tpu.dma_semaphore, #tpu.memory_space<semaphore_mem>>
      %dma_start3A = tpu.memref_slice %arg11[%mul3A_10] : memref<40960xf32, #tpu.memory_space<vmem_shared>> -> memref<2560xf32, #tpu.memory_space<vmem_shared>>
      %dma_start3A_18 = tpu.memref_slice %arg11[%mul3A_10] : memref<40960xf32, #tpu.memory_space<vmem_shared>> -> memref<2560xf32, #tpu.memory_space<vmem_shared>>
      tpu.enqueue_dma source(%arg9 : memref<2560xf32, #tpu.memory_space<vmem>>) target(%dma_start3A_18 : memref<2560xf32, #tpu.memory_space<vmem_shared>>) target_semaphore(%run_scoped3A : memref<!tpu.dma_semaphore, #tpu.memory_space<semaphore_mem>>)
      %dma_wait3A = tpu.memref_slice %arg11[%mul3A_10] : memref<40960xf32, #tpu.memory_space<vmem_shared>> -> memref<2560xf32, #tpu.memory_space<vmem_shared>>
      %dma_wait3A_19 = tpu.memref_slice %arg11[%mul3A_10] : memref<40960xf32, #tpu.memory_space<vmem_shared>> -> memref<2560xf32, #tpu.memory_space<vmem_shared>>
      tpu.wait_dma2 semaphore(%run_scoped3A : memref<!tpu.dma_semaphore, #tpu.memory_space<semaphore_mem>>) src(%arg9 : memref<2560xf32, #tpu.memory_space<vmem>>) dst(%dma_wait3A_19 : memref<2560xf32, #tpu.memory_space<vmem_shared>>)
      tpu.yield
    }) : () -> ()
    %barrier3A = arith.constant 0 : index
    tpu.barrier barrier_id(%barrier3A)
    %mul3A_11 = arith.constant 40000 : i32
    %mul3A_12 = arith.muli %add3A, %mul3A_11 : i32
    %add3A_13 = arith.constant 0 : i32
    %add3A_14 = arith.addi %mul3A_12, %add3A_13 : i32
    "tpu.region"() ({
      %run_scoped3A = tpu.sem_alloc : memref<!tpu.dma_semaphore, #tpu.memory_space<semaphore_mem>>
      %dma_start3A = tpu.memref_slice %arg2[%add3A_14] : memref<1280000xf32, #tpu.memory_space<hbm>> -> memref<40000xf32, #tpu.memory_space<hbm>>
      %dma_start3A_18 = tpu.memref_slice %arg2[%add3A_14] : memref<1280000xf32, #tpu.memory_space<hbm>> -> memref<40000xf32, #tpu.memory_space<hbm>>
      tpu.enqueue_dma source(%dma_start3A_18 : memref<40000xf32, #tpu.memory_space<hbm>>) target(%arg6 : memref<40000xf32, #tpu.memory_space<vmem>>) target_semaphore(%run_scoped3A : memref<!tpu.dma_semaphore, #tpu.memory_space<semaphore_mem>>)
      %dma_wait3A = tpu.memref_slice %arg2[%add3A_14] : memref<1280000xf32, #tpu.memory_space<hbm>> -> memref<40000xf32, #tpu.memory_space<hbm>>
      %dma_wait3A_19 = tpu.memref_slice %arg2[%add3A_14] : memref<1280000xf32, #tpu.memory_space<hbm>> -> memref<40000xf32, #tpu.memory_space<hbm>>
      tpu.wait_dma2 semaphore(%run_scoped3A : memref<!tpu.dma_semaphore, #tpu.memory_space<semaphore_mem>>) src(%dma_wait3A_19 : memref<40000xf32, #tpu.memory_space<hbm>>) dst(%arg6 : memref<40000xf32, #tpu.memory_space<vmem>>)
      tpu.yield
    }) : () -> ()
    "tpu.region"() ({
      %run_scoped3A = tpu.sem_alloc : memref<!tpu.dma_semaphore, #tpu.memory_space<semaphore_mem>>
      %dma_start3A = tpu.memref_slice %arg3[%add3A_14] : memref<1280000xi32, #tpu.memory_space<hbm>> -> memref<40000xi32, #tpu.memory_space<hbm>>
      %dma_start3A_18 = tpu.memref_slice %arg3[%add3A_14] : memref<1280000xi32, #tpu.memory_space<hbm>> -> memref<40000xi32, #tpu.memory_space<hbm>>
      tpu.enqueue_dma source(%dma_start3A_18 : memref<40000xi32, #tpu.memory_space<hbm>>) target(%arg7 : memref<40000xi32, #tpu.memory_space<vmem>>) target_semaphore(%run_scoped3A : memref<!tpu.dma_semaphore, #tpu.memory_space<semaphore_mem>>)
      %dma_wait3A = tpu.memref_slice %arg3[%add3A_14] : memref<1280000xi32, #tpu.memory_space<hbm>> -> memref<40000xi32, #tpu.memory_space<hbm>>
      %dma_wait3A_19 = tpu.memref_slice %arg3[%add3A_14] : memref<1280000xi32, #tpu.memory_space<hbm>> -> memref<40000xi32, #tpu.memory_space<hbm>>
      tpu.wait_dma2 semaphore(%run_scoped3A : memref<!tpu.dma_semaphore, #tpu.memory_space<semaphore_mem>>) src(%dma_wait3A_19 : memref<40000xi32, #tpu.memory_space<hbm>>) dst(%arg7 : memref<40000xi32, #tpu.memory_space<vmem>>)
      tpu.yield
    }) : () -> ()
    "tpu.region"() ({
      %run_scoped3A = tpu.sem_alloc : memref<!tpu.dma_semaphore, #tpu.memory_space<semaphore_mem>>
      %dma_start3A = arith.constant 0 : i32
      %dma_start3A_18 = tpu.memref_slice %arg11[%dma_start3A] : memref<40960xf32, #tpu.memory_space<vmem_shared>> -> memref<40960xf32, #tpu.memory_space<vmem_shared>>
      tpu.enqueue_indirect_dma source(%dma_start3A_18 : memref<40960xf32, #tpu.memory_space<vmem_shared>>) target(%arg8 : memref<40000xf32, #tpu.memory_space<vmem>>) offsets(%arg7 : memref<40000xi32, #tpu.memory_space<vmem>>) semaphore(%run_scoped3A : memref<!tpu.dma_semaphore, #tpu.memory_space<semaphore_mem>>)
      %dma_wait3A = arith.constant 0 : i32
      %dma_wait3A_19 = tpu.memref_slice %arg11[%dma_wait3A] : memref<40960xf32, #tpu.memory_space<vmem_shared>> -> memref<40960xf32, #tpu.memory_space<vmem_shared>>
      tpu.wait_indirect_dma semaphore(%run_scoped3A : memref<!tpu.dma_semaphore, #tpu.memory_space<semaphore_mem>>) src(%dma_wait3A_19 : memref<40960xf32, #tpu.memory_space<vmem_shared>>) dst(%arg8 : memref<40000xf32, #tpu.memory_space<vmem>>)
      tpu.yield
    }) : () -> ()
    %parallel_loop3A_15 = arith.constant 0 : i32
    %parallel_loop3A_16 = arith.constant 40000 : i32
    %parallel_loop3A_17 = arith.constant 16 : i32
    scf.for %parallel_loop3A_18 = %parallel_loop3A_15 to %parallel_loop3A_16 step %parallel_loop3A_17  : i32 {
      %parallel_loop3A_19 = arith.index_cast %parallel_loop3A_18 : i32 to index
      %parallel_loop3A_20 = tpu.vector_load %arg6[%parallel_loop3A_19] {strides = array<i32>} : memref<40000xf32, #tpu.memory_space<vmem>>, vector<16xf32>,
      %parallel_loop3A_21 = vector.shape_cast %parallel_loop3A_20 : vector<16xf32> to vector<16xf32>
      %parallel_loop3A_22 = arith.index_cast %parallel_loop3A_18 : i32 to index
      %parallel_loop3A_23 = tpu.vector_load %arg8[%parallel_loop3A_22] {strides = array<i32>} : memref<40000xf32, #tpu.memory_space<vmem>>, vector<16xf32>,
      %parallel_loop3A_24 = vector.shape_cast %parallel_loop3A_23 : vector<16xf32> to vector<16xf32>
      %parallel_loop3A_25 = arith.mulf %parallel_loop3A_21, %parallel_loop3A_24 : vector<16xf32>
      %parallel_loop3A_26 = arith.index_cast %parallel_loop3A_18 : i32 to index
      %parallel_loop3A_27 = tpu.vector_load %arg6[%parallel_loop3A_26] {strides = array<i32>} : memref<40000xf32, #tpu.memory_space<vmem>>, vector<16xf32>,
      %parallel_loop3A_28 = vector.shape_cast %parallel_loop3A_27 : vector<16xf32> to vector<16xf32>
      %parallel_loop3A_29 = vector.shape_cast %parallel_loop3A_25 : vector<16xf32> to vector<16xf32>
      tpu.vector_store %arg6[%parallel_loop3A_26], %parallel_loop3A_29 {strides = array<i32>} : memref<40000xf32, #tpu.memory_space<vmem>>, vector<16xf32>,
    } {sc.loop_unroll_factor = 8 : i64, sc.parallel_access}
    "tpu.region"() ({
      %run_scoped3A = tpu.sem_alloc : memref<!tpu.dma_semaphore, #tpu.memory_space<semaphore_mem>>
      %dma_start3A = tpu.memref_slice %arg5[%add3A_14] : memref<1280000xf32, #tpu.memory_space<hbm>> -> memref<40000xf32, #tpu.memory_space<hbm>>
      %dma_start3A_18 = tpu.memref_slice %arg5[%add3A_14] : memref<1280000xf32, #tpu.memory_space<hbm>> -> memref<40000xf32, #tpu.memory_space<hbm>>
      tpu.enqueue_dma source(%arg6 : memref<40000xf32, #tpu.memory_space<vmem>>) target(%dma_start3A_18 : memref<40000xf32, #tpu.memory_space<hbm>>) target_semaphore(%run_scoped3A : memref<!tpu.dma_semaphore, #tpu.memory_space<semaphore_mem>>)
      %dma_wait3A = tpu.memref_slice %arg5[%add3A_14] : memref<1280000xf32, #tpu.memory_space<hbm>> -> memref<40000xf32, #tpu.memory_space<hbm>>
      %dma_wait3A_19 = tpu.memref_slice %arg5[%add3A_14] : memref<1280000xf32, #tpu.memory_space<hbm>> -> memref<40000xf32, #tpu.memory_space<hbm>>
      tpu.wait_dma2 semaphore(%run_scoped3A : memref<!tpu.dma_semaphore, #tpu.memory_space<semaphore_mem>>) src(%arg6 : memref<40000xf32, #tpu.memory_space<vmem>>) dst(%dma_wait3A_19 : memref<40000xf32, #tpu.memory_space<hbm>>)
      tpu.yield
    }) : () -> ()
    return
  }
}

#map = affine_map<(d0, d1) -> (0)>
module attributes {stable_mosaic.version = 14 : i64} {
  func.func @_seg_accum_sc_body(%arg0: i32, %arg1: i32, %arg2: memref<1280000xf32, #tpu.memory_space<hbm>>, %arg3: memref<1280000xi32, #tpu.memory_space<hbm>>, %arg4: memref<40960xf32, #tpu.memory_space<hbm>>, %arg5: memref<81920xf32, #tpu.memory_space<hbm>>, %arg6: memref<40000xf32, #tpu.memory_space<vmem>>, %arg7: memref<40000xi32, #tpu.memory_space<vmem>>, %arg8: memref<40960xf32, #tpu.memory_space<vmem_shared>>) attributes {dimension_semantics = [#tpu.dimension_semantics<core_parallel>, #tpu.dimension_semantics<subcore_parallel>], iteration_bounds = array<i64: 2, 16>, scalar_prefetch = 0 : i64, scratch_operands = 3 : i64, tpu.core_type = #tpu.core_type<sc_vector_subcore>, window_params = [{transform_indices = #map}, {transform_indices = #map}, {transform_indices = #map}, {transform_indices = #map}]} {
    %mul3A = arith.constant 2 : i32
    %mul3A_0 = arith.muli %arg1, %mul3A : i32
    %add3A = arith.addi %mul3A_0, %arg0 : i32
    %mul3A_1 = arith.constant 2560 : i32
    %mul3A_2 = arith.muli %arg1, %mul3A_1 : i32
    %mul3A_3 = arith.constant 2560 : i32
    %mul3A_4 = arith.muli %arg1, %mul3A_3 : i32
    "tpu.region"() ({
      %run_scoped3A = tpu.sem_alloc : memref<!tpu.dma_semaphore, #tpu.memory_space<semaphore_mem>>
      %dma_start3A = tpu.memref_slice %arg8[%mul3A_4] : memref<40960xf32, #tpu.memory_space<vmem_shared>> -> memref<2560xf32, #tpu.memory_space<vmem_shared>>
      %dma_start3A_17 = tpu.memref_slice %arg4[%mul3A_2] : memref<40960xf32, #tpu.memory_space<hbm>> -> memref<2560xf32, #tpu.memory_space<hbm>>
      tpu.enqueue_dma source(%dma_start3A_17 : memref<2560xf32, #tpu.memory_space<hbm>>) target(%dma_start3A : memref<2560xf32, #tpu.memory_space<vmem_shared>>) target_semaphore(%run_scoped3A : memref<!tpu.dma_semaphore, #tpu.memory_space<semaphore_mem>>)
      %dma_wait3A = tpu.memref_slice %arg8[%mul3A_4] : memref<40960xf32, #tpu.memory_space<vmem_shared>> -> memref<2560xf32, #tpu.memory_space<vmem_shared>>
      %dma_wait3A_18 = tpu.memref_slice %arg4[%mul3A_2] : memref<40960xf32, #tpu.memory_space<hbm>> -> memref<2560xf32, #tpu.memory_space<hbm>>
      tpu.wait_dma2 semaphore(%run_scoped3A : memref<!tpu.dma_semaphore, #tpu.memory_space<semaphore_mem>>) src(%dma_wait3A_18 : memref<2560xf32, #tpu.memory_space<hbm>>) dst(%dma_wait3A : memref<2560xf32, #tpu.memory_space<vmem_shared>>)
      tpu.yield
    }) : () -> ()
    %barrier3A = arith.constant 0 : index
    tpu.barrier barrier_id(%barrier3A)
    %mul3A_5 = arith.constant 40000 : i32
    %mul3A_6 = arith.muli %add3A, %mul3A_5 : i32
    %add3A_7 = arith.constant 0 : i32
    %add3A_8 = arith.addi %mul3A_6, %add3A_7 : i32
    "tpu.region"() ({
      %run_scoped3A = tpu.sem_alloc : memref<!tpu.dma_semaphore, #tpu.memory_space<semaphore_mem>>
      %dma_start3A = tpu.memref_slice %arg2[%add3A_8] : memref<1280000xf32, #tpu.memory_space<hbm>> -> memref<40000xf32, #tpu.memory_space<hbm>>
      %dma_start3A_17 = tpu.memref_slice %arg2[%add3A_8] : memref<1280000xf32, #tpu.memory_space<hbm>> -> memref<40000xf32, #tpu.memory_space<hbm>>
      tpu.enqueue_dma source(%dma_start3A_17 : memref<40000xf32, #tpu.memory_space<hbm>>) target(%arg6 : memref<40000xf32, #tpu.memory_space<vmem>>) target_semaphore(%run_scoped3A : memref<!tpu.dma_semaphore, #tpu.memory_space<semaphore_mem>>)
      %dma_wait3A = tpu.memref_slice %arg2[%add3A_8] : memref<1280000xf32, #tpu.memory_space<hbm>> -> memref<40000xf32, #tpu.memory_space<hbm>>
      %dma_wait3A_18 = tpu.memref_slice %arg2[%add3A_8] : memref<1280000xf32, #tpu.memory_space<hbm>> -> memref<40000xf32, #tpu.memory_space<hbm>>
      tpu.wait_dma2 semaphore(%run_scoped3A : memref<!tpu.dma_semaphore, #tpu.memory_space<semaphore_mem>>) src(%dma_wait3A_18 : memref<40000xf32, #tpu.memory_space<hbm>>) dst(%arg6 : memref<40000xf32, #tpu.memory_space<vmem>>)
      tpu.yield
    }) : () -> ()
    "tpu.region"() ({
      %run_scoped3A = tpu.sem_alloc : memref<!tpu.dma_semaphore, #tpu.memory_space<semaphore_mem>>
      %dma_start3A = tpu.memref_slice %arg3[%add3A_8] : memref<1280000xi32, #tpu.memory_space<hbm>> -> memref<40000xi32, #tpu.memory_space<hbm>>
      %dma_start3A_17 = tpu.memref_slice %arg3[%add3A_8] : memref<1280000xi32, #tpu.memory_space<hbm>> -> memref<40000xi32, #tpu.memory_space<hbm>>
      tpu.enqueue_dma source(%dma_start3A_17 : memref<40000xi32, #tpu.memory_space<hbm>>) target(%arg7 : memref<40000xi32, #tpu.memory_space<vmem>>) target_semaphore(%run_scoped3A : memref<!tpu.dma_semaphore, #tpu.memory_space<semaphore_mem>>)
      %dma_wait3A = tpu.memref_slice %arg3[%add3A_8] : memref<1280000xi32, #tpu.memory_space<hbm>> -> memref<40000xi32, #tpu.memory_space<hbm>>
      %dma_wait3A_18 = tpu.memref_slice %arg3[%add3A_8] : memref<1280000xi32, #tpu.memory_space<hbm>> -> memref<40000xi32, #tpu.memory_space<hbm>>
      tpu.wait_dma2 semaphore(%run_scoped3A : memref<!tpu.dma_semaphore, #tpu.memory_space<semaphore_mem>>) src(%dma_wait3A_18 : memref<40000xi32, #tpu.memory_space<hbm>>) dst(%arg7 : memref<40000xi32, #tpu.memory_space<vmem>>)
      tpu.yield
    }) : () -> ()
    "tpu.region"() ({
      %run_scoped3A = tpu.sem_alloc : memref<!tpu.dma_semaphore, #tpu.memory_space<semaphore_mem>>
      %dma_start3A = arith.constant 0 : i32
      %dma_start3A_17 = tpu.memref_slice %arg8[%dma_start3A] : memref<40960xf32, #tpu.memory_space<vmem_shared>> -> memref<40960xf32, #tpu.memory_space<vmem_shared>>
      tpu.enqueue_indirect_dma source(%arg6 : memref<40000xf32, #tpu.memory_space<vmem>>) target(%dma_start3A_17 : memref<40960xf32, #tpu.memory_space<vmem_shared>>) offsets(%arg7 : memref<40000xi32, #tpu.memory_space<vmem>>) semaphore(%run_scoped3A : memref<!tpu.dma_semaphore, #tpu.memory_space<semaphore_mem>>) {add = true}
      %dma_wait3A = arith.constant 0 : i32
      %dma_wait3A_18 = tpu.memref_slice %arg8[%dma_wait3A] : memref<40960xf32, #tpu.memory_space<vmem_shared>> -> memref<40960xf32, #tpu.memory_space<vmem_shared>>
      tpu.wait_indirect_dma semaphore(%run_scoped3A : memref<!tpu.dma_semaphore, #tpu.memory_space<semaphore_mem>>) src(%arg6 : memref<40000xf32, #tpu.memory_space<vmem>>) dst(%dma_wait3A_18 : memref<40960xf32, #tpu.memory_space<vmem_shared>>)
      tpu.yield
    }) : () -> ()
    %barrier3A_9 = arith.constant 0 : index
    tpu.barrier barrier_id(%barrier3A_9)
    %mul3A_10 = arith.constant 2560 : i32
    %mul3A_11 = arith.muli %arg1, %mul3A_10 : i32
    %mul3A_12 = arith.constant 40960 : i32
    %mul3A_13 = arith.muli %arg0, %mul3A_12 : i32
    %mul3A_14 = arith.constant 2560 : i32
    %mul3A_15 = arith.muli %arg1, %mul3A_14 : i32
    %add3A_16 = arith.addi %mul3A_13, %mul3A_15 : i32
    "tpu.region"() ({
      %run_scoped3A = tpu.sem_alloc : memref<!tpu.dma_semaphore, #tpu.memory_space<semaphore_mem>>
      %dma_start3A = tpu.memref_slice %arg5[%add3A_16] : memref<81920xf32, #tpu.memory_space<hbm>> -> memref<2560xf32, #tpu.memory_space<hbm>>
      %dma_start3A_17 = tpu.memref_slice %arg8[%mul3A_11] : memref<40960xf32, #tpu.memory_space<vmem_shared>> -> memref<2560xf32, #tpu.memory_space<vmem_shared>>
      tpu.enqueue_dma source(%dma_start3A_17 : memref<2560xf32, #tpu.memory_space<vmem_shared>>) target(%dma_start3A : memref<2560xf32, #tpu.memory_space<hbm>>) target_semaphore(%run_scoped3A : memref<!tpu.dma_semaphore, #tpu.memory_space<semaphore_mem>>)
      %dma_wait3A = tpu.memref_slice %arg5[%add3A_16] : memref<81920xf32, #tpu.memory_space<hbm>> -> memref<2560xf32, #tpu.memory_space<hbm>>
      %dma_wait3A_18 = tpu.memref_slice %arg8[%mul3A_11] : memref<40960xf32, #tpu.memory_space<vmem_shared>> -> memref<2560xf32, #tpu.memory_space<vmem_shared>>
      tpu.wait_dma2 semaphore(%run_scoped3A : memref<!tpu.dma_semaphore, #tpu.memory_space<semaphore_mem>>) src(%dma_wait3A_18 : memref<2560xf32, #tpu.memory_space<vmem_shared>>) dst(%dma_wait3A : memref<2560xf32, #tpu.memory_space<hbm>>)
      tpu.yield
    }) : () -> ()
    return
  }
}

module attributes {stable_mosaic.version = 14 : i64} {
  func.func @_attn_exp_tc(%arg0: i32, %arg1: memref<12800x128xf32, #tpu.memory_space<vmem>>, %arg2: memref<12800x128xf32, #tpu.memory_space<vmem>>, %arg3: memref<128x128xf32, #tpu.memory_space<vmem>>, %arg4: memref<128x128xf32, #tpu.memory_space<vmem>>, %arg5: memref<1x128xf32, #tpu.memory_space<vmem>>, %arg6: memref<128x4xf32, #tpu.memory_space<vmem>>, %arg7: memref<4x12800xf32, #tpu.memory_space<vmem>>) attributes {dimension_semantics = [#tpu.dimension_semantics<arbitrary>], iteration_bounds = array<i64: 25>, scalar_prefetch = 0 : i64, scratch_operands = 0 : i64, tpu.core_type = #tpu.core_type<tc>, window_params = [{transform_indices = @transform_0, window_bounds = array<i64: 12800, 128>}, {transform_indices = @transform_1, window_bounds = array<i64: 12800, 128>}, {pipeline_mode = #tpu.pipeline_mode<synchronous>, transform_indices = @transform_2, window_bounds = array<i64: 128, 128>}, {pipeline_mode = #tpu.pipeline_mode<synchronous>, transform_indices = @transform_3, window_bounds = array<i64: 128, 128>}, {pipeline_mode = #tpu.pipeline_mode<synchronous>, transform_indices = @transform_4, window_bounds = array<i64: 1, 128>}, {pipeline_mode = #tpu.pipeline_mode<synchronous>, transform_indices = @transform_5, window_bounds = array<i64: 128, 4>}, {transform_indices = @transform_6, window_bounds = array<i64: 4, 12800>}]} {
    %get3A = arith.constant 0 : index
    %get3A_0 = arith.constant 0 : index
    %get3A_1 = vector.load %arg1[%get3A, %get3A_0] : memref<12800x128xf32, #tpu.memory_space<vmem>>, vector<12800x128xf32>
    %get3A_2 = arith.constant 0 : index
    %get3A_3 = arith.constant 0 : index
    %get3A_4 = vector.load %arg3[%get3A_2, %get3A_3] : memref<128x128xf32, #tpu.memory_space<vmem>>, vector<128x128xf32>
    %dot_general3A = arith.constant dense<0.000000e+00> : vector<12800x128xf32>
    %dot_general3A_5 = tpu.matmul %get3A_1, %get3A_4, %dot_general3A {dimension_numbers = #tpu.dot_dimension_numbers<[1], [0], [0], [1], [0, 0, 1, 1], [], []>, transpose_lhs_hint = false} : vector<12800x128xf32>, vector<128x128xf32>, vector<12800x128xf32> -> vector<12800x128xf32>
    %get3A_6 = arith.constant 0 : index
    %get3A_7 = arith.constant 0 : index
    %get3A_8 = vector.load %arg2[%get3A_6, %get3A_7] : memref<12800x128xf32, #tpu.memory_space<vmem>>, vector<12800x128xf32>
    %get3A_9 = arith.constant 0 : index
    %get3A_10 = arith.constant 0 : index
    %get3A_11 = vector.load %arg4[%get3A_9, %get3A_10] : memref<128x128xf32, #tpu.memory_space<vmem>>, vector<128x128xf32>
    %dot_general3A_12 = arith.constant dense<0.000000e+00> : vector<12800x128xf32>
    %dot_general3A_13 = tpu.matmul %get3A_8, %get3A_11, %dot_general3A_12 {dimension_numbers = #tpu.dot_dimension_numbers<[1], [0], [0], [1], [0, 0, 1, 1], [], []>, transpose_lhs_hint = false} : vector<12800x128xf32>, vector<128x128xf32>, vector<12800x128xf32> -> vector<12800x128xf32>
    %add3A = arith.addf %dot_general3A_5, %dot_general3A_13 : vector<12800x128xf32>
    %get3A_14 = arith.constant 0 : index
    %get3A_15 = arith.constant 0 : index
    %get3A_16 = vector.load %arg5[%get3A_14, %get3A_15] : memref<1x128xf32, #tpu.memory_space<vmem>>, vector<1x128xf32>
    %add3A_17 = vector.broadcast %get3A_16 : vector<1x128xf32> to vector<12800x128xf32>
    %add3A_18 = arith.addf %add3A, %add3A_17 : vector<12800x128xf32>
    %ge3A = arith.constant 0.000000e+00 : f32
    %ge3A_19 = vector.broadcast %ge3A : f32 to vector<12800x128xf32>
    %ge3A_20 = arith.cmpf oge, %add3A_18, %ge3A_19 : vector<12800x128xf32>
    %mul3A = arith.constant 0.00999999977 : f32
    %mul3A_21 = vector.broadcast %mul3A : f32 to vector<12800x128xf32>
    %mul3A_22 = arith.mulf %mul3A_21, %add3A_18 : vector<12800x128xf32>
    %select_n3A = arith.select %ge3A_20, %add3A_18, %mul3A_22 : vector<12800x128xi1>, vector<12800x128xf32>
    %get3A_23 = arith.constant 0 : index
    %get3A_24 = arith.constant 0 : index
    %get3A_25 = vector.load %arg6[%get3A_23, %get3A_24] : memref<128x4xf32, #tpu.memory_space<vmem>>, vector<128x4xf32>
    %dot_general3A_26 = arith.constant dense<0.000000e+00> : vector<4x12800xf32>
    %dot_general3A_27 = tpu.matmul %get3A_25, %select_n3A, %dot_general3A_26 {dimension_numbers = #tpu.dot_dimension_numbers<[0], [1], [1], [0], [0, 1, 1, 0], [], []>, transpose_lhs_hint = false} : vector<128x4xf32>, vector<12800x128xf32>, vector<4x12800xf32> -> vector<4x12800xf32>
    %exp3A = math.exp %dot_general3A_27 : vector<4x12800xf32>
    %swap3A = arith.constant 0 : index
    %swap3A_28 = arith.constant 0 : index
    %swap3A_29 = vector.load %arg7[%swap3A, %swap3A_28] : memref<4x12800xf32, #tpu.memory_space<vmem>>, vector<4x12800xf32>
    tpu.vector_store %arg7[%swap3A, %swap3A_28], %exp3A {strides = array<i32>} : memref<4x12800xf32, #tpu.memory_space<vmem>>, vector<4x12800xf32>,
    return
  }
  func.func @transform_0(%arg0: i32) -> (i32, i32) {
    %c0_i32 = arith.constant 0 : i32
    %c0_i32_0 = arith.constant 0 : i32
    return %arg0, %c0_i32 : i32, i32
  }
  func.func @transform_1(%arg0: i32) -> (i32, i32) {
    %c0_i32 = arith.constant 0 : i32
    %c0_i32_0 = arith.constant 0 : i32
    return %arg0, %c0_i32 : i32, i32
  }
  func.func @transform_2(%arg0: i32) -> (i32, i32) {
    %c0_i32 = arith.constant 0 : i32
    %c0_i32_0 = arith.constant 0 : i32
    %c0_i32_1 = arith.constant 0 : i32
    return %c0_i32, %c0_i32_0 : i32, i32
  }
  func.func @transform_3(%arg0: i32) -> (i32, i32) {
    %c0_i32 = arith.constant 0 : i32
    %c0_i32_0 = arith.constant 0 : i32
    %c0_i32_1 = arith.constant 0 : i32
    return %c0_i32, %c0_i32_0 : i32, i32
  }
  func.func @transform_4(%arg0: i32) -> (i32, i32) {
    %c0_i32 = arith.constant 0 : i32
    %c0_i32_0 = arith.constant 0 : i32
    %c0_i32_1 = arith.constant 0 : i32
    return %c0_i32, %c0_i32_0 : i32, i32
  }
  func.func @transform_5(%arg0: i32) -> (i32, i32) {
    %c0_i32 = arith.constant 0 : i32
    %c0_i32_0 = arith.constant 0 : i32
    %c0_i32_1 = arith.constant 0 : i32
    return %c0_i32, %c0_i32_0 : i32, i32
  }
  func.func @transform_6(%arg0: i32) -> (i32, i32) {
    %c0_i32 = arith.constant 0 : i32
    %c0_i32_0 = arith.constant 0 : i32
    return %c0_i32, %arg0 : i32, i32
  }
}

</mosaic_0001>

<sc_bundles>
// kernel: kernel.5.cloned.1.call-start
scs
__scs_entry_jumppad:
0x0: {  	(pc) =	sbr.rel $0x88, $3  }
0x1: {  	(tag) =	ssettag $0x0;
	lr =	simm.s32 $0x1  }
0x2: {  	[smem:$0x3F9B] =	sst lr;
	_ =	strace $0xD0000000  }
0x3: {  	_ = 	snop  }
0x4: {  	_ = 	snop  }
0x5: {  	_ = 	snop  }
0x6: {  	_ = 	snop  }
0x7: {  	_ = 	snop  }
__scs_overlays_trampoline_lowered:
0x8: {  	[smem:$0x3FAA] =	sst s0  }
0x9: {  	[smem:$0x3FAB] =	sst s1  }
0xa: {  	[smem:$0x3FAC] =	sst s2  }
0xb: {  	[smem:$0x3FAD] =	sst s3  }
0xc: {  	[smem:$0x3FAE] =	sst s4  }
0xd: {  	[smem:$0x3FAF] =	sst s5  }
0xe: {  	[smem:$0x3FB0] =	sst s6  }
0xf: {  	[smem:$0x3FB1] =	sst s7  }
0x10: {  	[smem:$0x3FB2] =	sst s8  }
0x11: {  	[smem:$0x3FB3] =	sst s9;
	s0 =	simm.s32 @!p0 $0x0  }
0x12: {  	s1 =	sld [smem:$0x3F99];
	s0 =	simm.s32 @p0 $0x1  }
0x13: {  	[smem:$0x3FB4] =	sst s0;
	s0 =	simm.s32 @!p1 $0x0  }
0x14: {  	s2 =	sld [smem:$0x3F98];
	s0 =	simm.s32 @p1 $0x1  }
0x15: {  	[smem:$0x3FB5] =	sst s0;
	s0 =	simm.s32 @!p2 $0x0  }
0x16: {  	s3 =	sld [smem:$0x3FDB];
	s0 =	simm.s32 @p2 $0x1  }
0x17: {  	s4 =	simm.s32 $0x1BF5;
	[smem:$0x3FB7] =	sst s0  }
0x18: {  	s0 =	sld [smem:$0x3F9A];
	_ =	swait.ge [sflag:s4], $0x0  }
0x19: {  	s7 =	sld [smem:$0x3F9B]  }
0x1a: {  	s8 =	sadd.s32 $0xFFFFE003, lr  }
0x1b: {  	s9 =	sadd.s32 $0xFFFFFEF7, lr;
	s5 =	simm.s32 $0xFFFFFFFF;
	p2 =	slt.u32 s8, $0xFFFFF086  }
0x1c: {  	p1 =	slt.u32 s9, $0xF7A;
	s5 =	simm.s32 @!p2 $0x0  }
0x1d: {  	s5 =	simm.s32 @p1 $0x1;
	p0 =	seq.s32 s7, s2  }
0x1e: {  	s7 =	smul.u32 @!p0 $0xF7A, s2;
	p2 =	seq.s32 @!p0 s5, $0x0  }
0x1f: {  	s9 =	smul.u32 $0xF7A, s1;
	s8 =	simm.s32 @!p0 $0x1BF5;
	p2 =	por !p2, p0  }
0x20: {  	[sflag:s8] =	ssyncset.s32 @!p0 $0xFFFFF086;
	s6 =	sadd.s32 @!p0 s3, s7;
	s7 =	simm.s32 @!p0 $0x108  }
0x21: {  	s3 =	sadd.s32 s3, s9;
	s6 =	sadd.s32 @!p0 $0x88, s6;
	s7 =	simm.s32 @p2 $0x1082  }
0x22: {  	[simem:s7], [sflag:s8] =	dma.local @!p0 [hbm:s6], $0xF7A  }
0x23: {  	s9 =	sor.u32 $0xD0000000, s2;
	s6 =	simm.s32 $0x108;
	_ =	swait.ge @!p0 [sflag:s8], $0x0  }
0x24: {  	s3 =	sadd.s32 $0x88, s3;
	s6 =	simm.s32 @!p1 $0x1082;
	[sflag:s4] =	ssyncset.s32 $0xFFFFF086  }
0x25: {  	[simem:s6], [sflag:s4] =	dma.local [hbm:s3], $0xF7A  }
0x26: {  	[smem:$0x3F9B] =	sst s1;
	(tag) =	ssettag s2;
	_ =	strace s9  }
0x27: {  	s1 =	sld [smem:$0x3FAB]  }
0x28: {  	s2 =	sld [smem:$0x3FAC]  }
0x29: {  	s4 =	sld [smem:$0x3FAE]  }
0x2a: {  	p0 =	seq.s32 s5, $0x0;
	s5 =	sld [smem:$0x3FAF]  }
0x2b: {  	s6 =	sld [smem:$0x3FB0]  }
0x2c: {  	s7 =	sld [smem:$0x3FB1]  }
0x2d: {  	s3 =	simm.s32 $0x108;
	s8 =	sld [smem:$0x3FB2]  }
0x2e: {  	s3 =	simm.s32 @!p0 $0x1082;
	s9 =	sld [smem:$0x3FB3]  }
0x2f: {  	lr =	sadd.s32 s0, s3;
	s0 =	sld [smem:$0x3FAA]  }
0x30: {  	s3 =	sld [smem:$0x3FAD]  }
0x31: {  	[smem:$0x3FB6] =	sst s10  }
0x32: {  	s10 =	sld [smem:$0x3FB4];
	_ =	sdelay $0x3  }
0x33: {  	p0 =	seq.s32 s10, $0x1;
	s10 =	sld [smem:$0x3FB6];
	_ =	sdelay $0x3  }
0x34: {  	[smem:$0x3FB6] =	sst s10  }
0x35: {  	s10 =	sld [smem:$0x3FB5];
	_ =	sdelay $0x3  }
0x36: {  	p1 =	seq.s32 s10, $0x1;
	s10 =	sld [smem:$0x3FB6];
	_ =	sdelay $0x3  }
0x37: {  	[smem:$0x3FB6] =	sst s10  }
0x38: {  	s10 =	sld [smem:$0x3FB7]  }
0x39: {  	_ = 	snop;
	(pc) =	sbr.ind lr, $3  }
0x3a: {  	_ = 	snop  }
0x3b: {  	_ = 	snop  }
0x3c: {  	p2 =	seq.s32 s10, $0x1;
	s10 =	sld [smem:$0x3FB6]  }
0x3d: {  	_ =	shalt  }
0x3e: {  	_ =	shalt  }
0x3f: {  	_ =	shalt  }
0x40: {  	_ =	shalt  }
0x41: {  	_ =	shalt  }
0x42: {  	_ =	shalt  }
0x43: {  	_ =	shalt  }
0x44: {  	_ =	shalt  }
0x45: {  	_ =	shalt  }
0x46: {  	_ =	shalt  }
0x47: {  	_ =	shalt  }
0x48: {  	_ =	shalt  }
0x49: {  	_ =	shalt  }
0x4a: {  	_ =	shalt  }
0x4b: {  	_ =	shalt  }
0x4c: {  	_ =	shalt  }
0x4d: {  	_ =	shalt  }
0x4e: {  	_ =	shalt  }
0x4f: {  	_ =	shalt  }
0x50: {  	_ =	shalt  }
0x51: {  	_ =	shalt  }
0x52: {  	_ =	shalt  }
0x53: {  	_ =	shalt  }
0x54: {  	_ =	shalt  }
0x55: {  	_ =	shalt  }
0x56: {  	_ =	shalt  }
0x57: {  	_ =	shalt  }
0x58: {  	_ =	shalt  }
0x59: {  	_ =	shalt  }
0x5a: {  	_ =	shalt  }
0x5b: {  	_ =	shalt  }
0x5c: {  	_ =	shalt  }
0x5d: {  	_ =	shalt  }
0x5e: {  	_ =	shalt  }
0x5f: {  	_ =	shalt  }
0x60: {  	_ =	shalt  }
0x61: {  	_ =	shalt  }
0x62: {  	_ =	shalt  }
0x63: {  	_ =	shalt  }
0x64: {  	_ =	shalt  }
0x65: {  	_ =	shalt  }
0x66: {  	_ =	shalt  }
0x67: {  	_ =	shalt  }
0x68: {  	_ =	shalt  }
0x69: {  	_ =	shalt  }
0x6a: {  	_ =	shalt  }
0x6b: {  	_ =	shalt  }
0x6c: {  	_ =	shalt  }
0x6d: {  	_ =	shalt  }
0x6e: {  	_ =	shalt  }
0x6f: {  	_ =	shalt  }
0x70: {  	_ =	shalt  }
0x71: {  	_ =	shalt  }
0x72: {  	_ =	shalt  }
0x73: {  	_ =	shalt  }
0x74: {  	_ =	shalt  }
0x75: {  	_ =	shalt  }
0x76: {  	_ =	shalt  }
0x77: {  	_ =	shalt  }
0x78: {  	_ =	shalt  }
0x79: {  	_ =	shalt  }
0x7a: {  	_ =	shalt  }
0x7b: {  	_ =	shalt  }
0x7c: {  	_ =	shalt  }
0x7d: {  	_ =	shalt  }
0x7e: {  	_ =	shalt  }
0x7f: {  	_ =	shalt  }
0x80: {  	_ =	shalt  }
0x81: {  	_ =	shalt  }
0x82: {  	_ =	shalt  }
0x83: {  	_ =	shalt  }
0x84: {  	_ =	shalt  }
0x85: {  	_ =	shalt  }
0x86: {  	_ =	shalt  }
0x87: {  	_ =	shalt  }
.Lfunc_end0:
.L_simem_size_0:
called_computation_lowered:
.L_overlay_start_0:
0x88: {  	s2 =	sld [smem:$0x3FD9]  }
0x89: {  	s3 =	sld [smem:$0x3FFE];
	_ =	sdelay $0x1  }
0x8a: {  	s1 =	srdreg.scid  }
0x8b: {  	s0 =	sand.u32 $0x1, s1  }
0x8c: {  	s17 =	sshll.u32 s0, $0xA;
	s2 =	sadd.s32 s3, s2  }
0x8d: {  	s2 =	sadd.s32 s2, s17  }
0x8e: {  	[smem:$0x3FC2] =	sst s2  }
0x8f: {  	_ = 	snop  }
0x90: {  	s2 =	sld [smem:$0x3FD0];
	(tm) =	ssettm $0x1  }
0x91: {  	s18 =	sld [smem:$0x3FFB];
	_ =	sdelay $0x3  }
0x92: {  	_ =	strace s18  }
0x93: {  	s3 =	sld [smem:$0x3FFC];
	_ =	sdelay $0x3  }
0x94: {  	_ =	strace s3  }
0x95: {  	s3 =	sld [smem:$0x3FFD];
	_ =	sdelay $0x3  }
0x96: {  	_ =	strace s3  }
0x97: {  	_ =	strace $0x8FFFFFFF  }
0x98: {  	s19 =	sld [smem:$0x3FDB];
	_ =	sdelay $0x1  }
0x99: {  	s4 =	simm.s32 $_scs_section_size  }
0x9a: {  	s5 =	simm.s32 $_size__tile_overlayer_lowered;
	s6 =	simm.s32 $_tile_overlayer_lowered  }
0x9b: {  	s22 =	simm.s32 $0x1BFF;
	s21 =	sshll.u32 s6, $0x1;
	s3 =	sadd.s32 s4, s19  }
0x9c: {  	s7 =	simm.s32 $0x0;
	s20 =	sshll.u32 s5, $0x1;
	s5 =	sadd.s32 s21, s3  }
0x9d: {  	[timem:s7], [sflag:s22] =	dma.local [hbm:s5], s20  }
0x9e: {  	_ =	swait.ge [sflag:s22], s20  }
0x9f: {  	s4 =	ssub.s32 $0x0, s20;
	[sflag:s22] =	ssyncset.done $0x0  }
0xa0: {  	[sflag:s22] =	ssyncadd.s32 s4;
	_ =	sdelay $0x1  }
0xa1: {  	s23 =	simm.s32 $0x1B8B  }
0xa2: {  	_ =	swait.ge [sflag:s23], $0x1  }
0xa3: {  	[sflag:s23] =	ssyncset.done $0x0  }
0xa4: {  	s25 =	simm.s32 $0x1B8E;
	s24 =	sld [smem:$0x3FFE];
	[sflag:s23] =	ssyncadd.s32 $0xFFFFFFFF  }
0xa5: {  	s26 =	simm.s32 $execute0_lowered;
	[smem:$0x3FD2] =	sst s25  }
0xa6: {  	s5 =	sshll.u32 s26, $0x1;
	_ =	strace $0x80000046;
	[dreg:$0x1] =	wrdreg $0xFFFFFFFF  }
0xa7: {  	s28 =	simm.s32 $_size_execute0_lowered;
	s3 =	sadd.s32 s3, s5;
	[dreg:$0x0] =	wrdreg $0x0  }
0xa8: {  	s5 =	sshll.u32 s28, $0x1;
	[dreg:$0x2] =	wrdreg s3  }
0xa9: {  	[dreg:$0x3] =	wrdreg s5  }
0xaa: {  	[dreg:$0x4] =	wrdreg $0xC0  }
0xab: {  	_ =	task [dreg:s7], $0x5FFFF  }
0xac: {  	[dreg:$0x1] =	wrdreg $0xFFFFFFFF  }
0xad: {  	[dreg:$0x0] =	wrdreg $0x60  }
0xae: {  	[dreg:$0x2] =	wrdreg s2  }
0xaf: {  	[dreg:$0x3] =	wrdreg s24  }
0xb0: {  	[dreg:$0x4] =	wrdreg $0x138800  }
0xb1: {  	[dreg:$0x5] =	wrdreg $0x9  }
0xb2: {  	_ =	task.clear_ibuf [dreg:s7], $0x6FFFF;
	_ =	strace $0x90000046  }
0xb3: {  	s29 =	simm.s32 $0x9;
	_ =	strace $0x80000048  }
0xb4: {  	_ =	swait.ge [sflag:s29], $0x1  }
0xb5: {  	[sflag:s29] =	ssyncadd.s32 $0xFFFFFFFF  }
0xb6: {  	_ =	strace $0x90000048  }
0xb7: {  	_ =	sfence  }
0xb8: {  	s30 =	sld [smem:$0x0];
	_ =	sdelay $0x2  }
0xb9: {  	s31 =	sshll.u32 s1, $0xD;
	s1 =	sshrl.u32 s1, $0x2  }
0xba: {  	s3 =	sand.u32 $0x4000, s31;
	s1 =	sadd.s32 s1, s30  }
0xbb: {  	s0 =	sor.u32 s3, s0;
	s1 =	sshll.u32 s1, $0x11  }
0xbc: {  	s0 =	sor.u32 s1, s0  }
0xbd: {  	s0 =	sadd.s32 $0x8F2B, s0  }
0xbe: {  	[sflag:s0] =	ssyncadd.remote.s32 $0x1  }
0xbf: {  	_ =	sfence.sel $0xFFFF  }
0xc0: {  	[dreg:$0x0] =	wrdreg $0xFFFFFFFF;
	(pc) =	sbr.abs _section_cstart, $3  }
0xc1: {  	[dreg:$0x1] =	wrdreg $0xFFFFFFFF  }
0xc2: {  	_ =	task.clear_ibuf [dreg:s7], $0x2FFFF;
	_ =	strace $0x9FFFFFFF  }
0xc3: {  	(tm) =	ssettm $0x7FFFFFFF  }
tec
execute0_lowered:
.L_overlay_start_1:
0x0: {  	(tag) =	ssettag $0x1  }
0x1: {  	s8 =	rddreg [dreg:$0x0]  }
0x2: {  	s11 =	rddreg [dreg:$0x1]  }
0x3: {  	s2 =	rddreg [dreg:$0x2]  }
0x4: {  	s1 =	stileid.u32;
	s0 =	rddreg [dreg:$0x3]  }
0x5: {  	s3 =	simm.s32 $0x0;
	s4 =	srdreg.scid;
	s12 =	smul.u32 $0xA00, s1  }
0x6: {  	[smem:$0x7FF] =	sst s3;
	s13 =	sand.u32 $0x1, s4;
	s9 =	sshll.u32 s1, $0x1  }
0x7: {  	s29 =	sshll.u32 s1, $0x6;
	_ =	strace $0x80000047;
	s5 =	sshrl.u32 s12, $0x3  }
0x8: {  	s6 =	sadd.s32 s12, s2;
	s28 =	sadd.s32 s5, s11;
	s5 =	sor.u32 $0x1C01, s29  }
0x9: {  	s7 =	sshrl.u32 s6, $0x3;
	s6 =	simm.s32 $0x1;
	s4 =	sadd.s32 $0x28000, s28  }
0xa: {  	[spmem:s7], [sflag:s5] =	dma.local [hbm:s4], $0x140  }
0xb: {  	s9 =	sor.u32 s13, s9;
	_ =	swait.ge [sflag:s6], $0x140  }
0xc: {  	s9 =	smul.u32 $0x1388, s9;
	[sflag:s6] =	ssyncset.done $0x0  }
0xd: {  	[sflag:s6] =	ssyncadd.s32 $0xFFFFFEC0  }
0xe: {  	s8 =	sadd.s32 s8, s9;
	[bflag:$0x0] =	sbarrier.arrive $0xFFFF  }
0xf: {  	[tilespmem:s3], [sflag:$0x1] =	stream.linear.gather [hbm4b:s8+s3], $0x9C40, $0x38;
	[tilespmem:$0x14280] =	vst v63  }
0x10: {  	_ =	swait.ge [sflag:s6], $0x9C40  }
0x11: {  	s10 =	simm.s32 $0x9C40;
	s9 =	sadd.s32 s9, s11;
	[sflag:s6] =	ssyncset.done $0x0  }
0x12: {  	s14 =	smul.u32 $0xA000, s13;
	s9 =	sadd.s32 $0xE00, s9;
	[sflag:s6] =	ssyncadd.s32 $0xFFFF63C0  }
0x13: {  	[tilespmem:s10], [sflag:$0x1] =	stream.linear.gather [hbm4b:s9+s3], $0x9C40, $0x38;
	[tilespmem:$0x14280] =	vst v63  }
0x14: {  	s13 =	ssub.s32 $0x2, s13;
	_ =	swait.ge [sflag:s6], $0x9C40  }
0x15: {  	s30 =	sshrl.u32 s13, $0x1;
	s12 =	sadd.s32 s12, s14;
	[sflag:s6] =	ssyncset.done $0x0  }
0x16: {  	s31 =	ssub.s32 s13, s30;
	s12 =	sshrl.u32 s12, $0x3;
	[sflag:s6] =	ssyncadd.s32 $0xFFFF63C0  }
0x17: {  	[spmem:s2] =	stream.indirect.scatter.add.f32 [tilespmem:s3], [sflag:$0x1], $0x1, s10, s10, $0xb8;
	[tilespmem:$0x14280] =	vst v63  }
0x18: {  	s11 =	sadd.s32 s12, s11;
	s12 =	smax.u32 s31, $0x1;
	_ =	swait.ge [sflag:s6], $0x9C40  }
0x19: {  	p0 =	sne.s32 s12, $0x1;
	[sflag:s6] =	ssyncset.done $0x0  }
.Ltmp0:
0x1a: {  	[sflag:s6] =	ssyncadd.s32 $0xFFFF63C0;
	(pc) =	sbr.rel @!p0 .LBB2_2-.Ltmp0, $4  }
0x1b: {  	s11 =	sadd.s32 $0x29400, s11;
	[bflag:$0x0] =	sbarrier.arrive $0xFFFF  }
0x1c: {  	[hbm:s11], [sflag:s5] =	dma.local [spmem:s7], $0x140  }
0x1d: {  	_ =	swait.ge [sflag:s6], $0x140  }
0x1e: {  	s12 =	sadd.s32 $0xFFFFFFFF, s12;
	[sflag:s6] =	ssyncset.done $0x0  }
.LBB2_1:
0x1f: {  	p0 =	sne.s32 s12, $0x1;
	s12 =	sadd.s32 $0xFFFFFFFF, s12;
	[sflag:s6] =	ssyncadd.s32 $0xFFFFFEC0  }
0x20: {  	[spmem:s7], [sflag:s5] =	dma.local [hbm:s4], $0x140  }
0x21: {  	_ =	swait.ge [sflag:s6], $0x140  }
0x22: {  	[sflag:s6] =	ssyncset.done $0x0  }
0x23: {  	[sflag:s6] =	ssyncadd.s32 $0xFFFFFEC0  }
0x24: {  	[bflag:$0x0] =	sbarrier.arrive $0xFFFF  }
0x25: {  	[tilespmem:s3], [sflag:$0x1] =	stream.linear.gather [hbm4b:s8+s3], $0x9C40, $0x38;
	[tilespmem:$0x14280] =	vst v63  }
0x26: {  	_ =	swait.ge [sflag:s6], $0x9C40  }
0x27: {  	[sflag:s6] =	ssyncset.done $0x0  }
0x28: {  	[sflag:s6] =	ssyncadd.s32 $0xFFFF63C0  }
0x29: {  	[tilespmem:s10], [sflag:$0x1] =	stream.linear.gather [hbm4b:s9+s3], $0x9C40, $0x38;
	[tilespmem:$0x14280] =	vst v63  }
0x2a: {  	_ =	swait.ge [sflag:s6], $0x9C40  }
0x2b: {  	[sflag:s6] =	ssyncset.done $0x0  }
0x2c: {  	[sflag:s6] =	ssyncadd.s32 $0xFFFF63C0  }
0x2d: {  	[spmem:s2] =	stream.indirect.scatter.add.f32 [tilespmem:s3], [sflag:$0x1], $0x1, s10, s10, $0xb8;
	[tilespmem:$0x14280] =	vst v63  }
0x2e: {  	_ =	swait.ge [sflag:s6], $0x9C40  }
0x2f: {  	[sflag:s6] =	ssyncset.done $0x0  }
.Ltmp1:
0x30: {  	[sflag:s6] =	ssyncadd.s32 $0xFFFF63C0;
	(pc) =	sbr.rel @p0 .LBB2_1-.Ltmp1, $4  }
0x31: {  	[bflag:$0x0] =	sbarrier.arrive $0xFFFF  }
0x32: {  	[hbm:s11], [sflag:s5] =	dma.local [spmem:s7], $0x140  }
0x33: {  	_ =	swait.ge [sflag:s6], $0x140  }
0x34: {  	[sflag:s6] =	ssyncset.done $0x0  }
.LBB2_2:
0x35: {  	[sflag:s6] =	ssyncadd.s32 $0xFFFFFEC0  }
0x36: {  	_ =	sfence.sel $0x180000  }
0x37: {  	[bflag:$0x0] =	sbarrier.arrive $0xFFFF  }
0x38: {  	p0 =	sne.s32 s1, $0x0;
	_ =	strace $0x90000047  }
0x39: {  	s0 =	sadd.s32 @!p0 $0x100000, s0;
	[bflag:$0x2] =	sbarrier.arrive $0xFFFF  }
0x3a: {  	[sflag:s0] =	ssyncadd.tile.s32 @!p0 $0x1;
	_ =	shalt  }
.Lfunc_end2:
_tile_overlayer_lowered:
.L_overlay_start_2:
0x3b: {  	(tag) =	ssettag $0x2  }
0x3c: {  	s0 =	rddreg [dreg:$0x0];
	s2 =	stileid.u32  }
0x3d: {  	s1 =	rddreg [dreg:$0x1];
	p0 =	sne.s32 s2, $0x0  }
0x3e: {  	s3 =	rddreg [dreg:$0x2];
	[bflag:$0x3] =	sbarrier.arrive $0xFFFF;
	s2 =	simm.s32 @!p0 $0x1C01  }
0x3f: {  	[timem:s3], [sflag:s2] =	dma.local @!p0 [hbm:s0], s1  }
0x40: {  	s0 =	simm.s32 @!p0 $0x1  }
0x41: {  	_ =	swait.ge @!p0 [sflag:s0], s1  }
0x42: {  	s1 =	ssub.s32 @!p0 $0x0, s1;
	[sflag:s0] =	ssyncset.done @!p0 $0x0  }
0x43: {  	[sflag:s0] =	ssyncadd.s32 @!p0 s1  }
0x44: {  	[bflag:$0x3] =	sbarrier.arrive $0xFFFF  }
0x45: {  	_ =	shalt  }

// kernel: kernel.8.cloned.1.call-start
scs
__scs_entry_jumppad:
0x0: {  	(pc) =	sbr.rel $0x88, $3  }
0x1: {  	(tag) =	ssettag $0x0;
	lr =	simm.s32 $0x1  }
0x2: {  	[smem:$0x3F9B] =	sst lr;
	_ =	strace $0xD0000000  }
0x3: {  	_ = 	snop  }
0x4: {  	_ = 	snop  }
0x5: {  	_ = 	snop  }
0x6: {  	_ = 	snop  }
0x7: {  	_ = 	snop  }
__scs_overlays_trampoline_lowered:
0x8: {  	[smem:$0x3FAA] =	sst s0  }
0x9: {  	[smem:$0x3FAB] =	sst s1  }
0xa: {  	[smem:$0x3FAC] =	sst s2  }
0xb: {  	[smem:$0x3FAD] =	sst s3  }
0xc: {  	[smem:$0x3FAE] =	sst s4  }
0xd: {  	[smem:$0x3FAF] =	sst s5  }
0xe: {  	[smem:$0x3FB0] =	sst s6  }
0xf: {  	[smem:$0x3FB1] =	sst s7  }
0x10: {  	[smem:$0x3FB2] =	sst s8  }
0x11: {  	[smem:$0x3FB3] =	sst s9;
	s0 =	simm.s32 @!p0 $0x0  }
0x12: {  	s1 =	sld [smem:$0x3F99];
	s0 =	simm.s32 @p0 $0x1  }
0x13: {  	[smem:$0x3FB4] =	sst s0;
	s0 =	simm.s32 @!p1 $0x0  }
0x14: {  	s2 =	sld [smem:$0x3F98];
	s0 =	simm.s32 @p1 $0x1  }
0x15: {  	[smem:$0x3FB5] =	sst s0;
	s0 =	simm.s32 @!p2 $0x0  }
0x16: {  	s3 =	sld [smem:$0x3FDB];
	s0 =	simm.s32 @p2 $0x1  }
0x17: {  	s4 =	simm.s32 $0x1BF5;
	[smem:$0x3FB7] =	sst s0  }
0x18: {  	s0 =	sld [smem:$0x3F9A];
	_ =	swait.ge [sflag:s4], $0x0  }
0x19: {  	s7 =	sld [smem:$0x3F9B]  }
0x1a: {  	s8 =	sadd.s32 $0xFFFFE003, lr  }
0x1b: {  	s9 =	sadd.s32 $0xFFFFFEF7, lr;
	s5 =	simm.s32 $0xFFFFFFFF;
	p2 =	slt.u32 s8, $0xFFFFF086  }
0x1c: {  	p1 =	slt.u32 s9, $0xF7A;
	s5 =	simm.s32 @!p2 $0x0  }
0x1d: {  	s5 =	simm.s32 @p1 $0x1;
	p0 =	seq.s32 s7, s2  }
0x1e: {  	s7 =	smul.u32 @!p0 $0xF7A, s2;
	p2 =	seq.s32 @!p0 s5, $0x0  }
0x1f: {  	s9 =	smul.u32 $0xF7A, s1;
	s8 =	simm.s32 @!p0 $0x1BF5;
	p2 =	por !p2, p0  }
0x20: {  	[sflag:s8] =	ssyncset.s32 @!p0 $0xFFFFF086;
	s6 =	sadd.s32 @!p0 s3, s7;
	s7 =	simm.s32 @!p0 $0x108  }
0x21: {  	s3 =	sadd.s32 s3, s9;
	s6 =	sadd.s32 @!p0 $0x88, s6;
	s7 =	simm.s32 @p2 $0x1082  }
0x22: {  	[simem:s7], [sflag:s8] =	dma.local @!p0 [hbm:s6], $0xF7A  }
0x23: {  	s9 =	sor.u32 $0xD0000000, s2;
	s6 =	simm.s32 $0x108;
	_ =	swait.ge @!p0 [sflag:s8], $0x0  }
0x24: {  	s3 =	sadd.s32 $0x88, s3;
	s6 =	simm.s32 @!p1 $0x1082;
	[sflag:s4] =	ssyncset.s32 $0xFFFFF086  }
0x25: {  	[simem:s6], [sflag:s4] =	dma.local [hbm:s3], $0xF7A  }
0x26: {  	[smem:$0x3F9B] =	sst s1;
	(tag) =	ssettag s2;
	_ =	strace s9  }
0x27: {  	s1 =	sld [smem:$0x3FAB]  }
0x28: {  	s2 =	sld [smem:$0x3FAC]  }
0x29: {  	s4 =	sld [smem:$0x3FAE]  }
0x2a: {  	p0 =	seq.s32 s5, $0x0;
	s5 =	sld [smem:$0x3FAF]  }
0x2b: {  	s6 =	sld [smem:$0x3FB0]  }
0x2c: {  	s7 =	sld [smem:$0x3FB1]  }
0x2d: {  	s3 =	simm.s32 $0x108;
	s8 =	sld [smem:$0x3FB2]  }
0x2e: {  	s3 =	simm.s32 @!p0 $0x1082;
	s9 =	sld [smem:$0x3FB3]  }
0x2f: {  	lr =	sadd.s32 s0, s3;
	s0 =	sld [smem:$0x3FAA]  }
0x30: {  	s3 =	sld [smem:$0x3FAD]  }
0x31: {  	[smem:$0x3FB6] =	sst s10  }
0x32: {  	s10 =	sld [smem:$0x3FB4];
	_ =	sdelay $0x3  }
0x33: {  	p0 =	seq.s32 s10, $0x1;
	s10 =	sld [smem:$0x3FB6];
	_ =	sdelay $0x3  }
0x34: {  	[smem:$0x3FB6] =	sst s10  }
0x35: {  	s10 =	sld [smem:$0x3FB5];
	_ =	sdelay $0x3  }
0x36: {  	p1 =	seq.s32 s10, $0x1;
	s10 =	sld [smem:$0x3FB6];
	_ =	sdelay $0x3  }
0x37: {  	[smem:$0x3FB6] =	sst s10  }
0x38: {  	s10 =	sld [smem:$0x3FB7]  }
0x39: {  	_ = 	snop;
	(pc) =	sbr.ind lr, $3  }
0x3a: {  	_ = 	snop  }
0x3b: {  	_ = 	snop  }
0x3c: {  	p2 =	seq.s32 s10, $0x1;
	s10 =	sld [smem:$0x3FB6]  }
0x3d: {  	_ =	shalt  }
0x3e: {  	_ =	shalt  }
0x3f: {  	_ =	shalt  }
0x40: {  	_ =	shalt  }
0x41: {  	_ =	shalt  }
0x42: {  	_ =	shalt  }
0x43: {  	_ =	shalt  }
0x44: {  	_ =	shalt  }
0x45: {  	_ =	shalt  }
0x46: {  	_ =	shalt  }
0x47: {  	_ =	shalt  }
0x48: {  	_ =	shalt  }
0x49: {  	_ =	shalt  }
0x4a: {  	_ =	shalt  }
0x4b: {  	_ =	shalt  }
0x4c: {  	_ =	shalt  }
0x4d: {  	_ =	shalt  }
0x4e: {  	_ =	shalt  }
0x4f: {  	_ =	shalt  }
0x50: {  	_ =	shalt  }
0x51: {  	_ =	shalt  }
0x52: {  	_ =	shalt  }
0x53: {  	_ =	shalt  }
0x54: {  	_ =	shalt  }
0x55: {  	_ =	shalt  }
0x56: {  	_ =	shalt  }
0x57: {  	_ =	shalt  }
0x58: {  	_ =	shalt  }
0x59: {  	_ =	shalt  }
0x5a: {  	_ =	shalt  }
0x5b: {  	_ =	shalt  }
0x5c: {  	_ =	shalt  }
0x5d: {  	_ =	shalt  }
0x5e: {  	_ =	shalt  }
0x5f: {  	_ =	shalt  }
0x60: {  	_ =	shalt  }
0x61: {  	_ =	shalt  }
0x62: {  	_ =	shalt  }
0x63: {  	_ =	shalt  }
0x64: {  	_ =	shalt  }
0x65: {  	_ =	shalt  }
0x66: {  	_ =	shalt  }
0x67: {  	_ =	shalt  }
0x68: {  	_ =	shalt  }
0x69: {  	_ =	shalt  }
0x6a: {  	_ =	shalt  }
0x6b: {  	_ =	shalt  }
0x6c: {  	_ =	shalt  }
0x6d: {  	_ =	shalt  }
0x6e: {  	_ =	shalt  }
0x6f: {  	_ =	shalt  }
0x70: {  	_ =	shalt  }
0x71: {  	_ =	shalt  }
0x72: {  	_ =	shalt  }
0x73: {  	_ =	shalt  }
0x74: {  	_ =	shalt  }
0x75: {  	_ =	shalt  }
0x76: {  	_ =	shalt  }
0x77: {  	_ =	shalt  }
0x78: {  	_ =	shalt  }
0x79: {  	_ =	shalt  }
0x7a: {  	_ =	shalt  }
0x7b: {  	_ =	shalt  }
0x7c: {  	_ =	shalt  }
0x7d: {  	_ =	shalt  }
0x7e: {  	_ =	shalt  }
0x7f: {  	_ =	shalt  }
0x80: {  	_ =	shalt  }
0x81: {  	_ =	shalt  }
0x82: {  	_ =	shalt  }
0x83: {  	_ =	shalt  }
0x84: {  	_ =	shalt  }
0x85: {  	_ =	shalt  }
0x86: {  	_ =	shalt  }
0x87: {  	_ =	shalt  }
.Lfunc_end0:
.L_simem_size_0:
called_computation.1_lowered:
.L_overlay_start_0:
0x88: {  	s2 =	sld [smem:$0x3FD9]  }
0x89: {  	s3 =	sld [smem:$0x3FFE];
	_ =	sdelay $0x1  }
0x8a: {  	s1 =	srdreg.scid  }
0x8b: {  	s0 =	sand.u32 $0x1, s1  }
0x8c: {  	s17 =	sshll.u32 s0, $0xA;
	s2 =	sadd.s32 s3, s2  }
0x8d: {  	s2 =	sadd.s32 s2, s17  }
0x8e: {  	[smem:$0x3FC2] =	sst s2  }
0x8f: {  	_ = 	snop  }
0x90: {  	s2 =	sld [smem:$0x3FD0];
	(tm) =	ssettm $0x1  }
0x91: {  	s18 =	sld [smem:$0x3FFB];
	_ =	sdelay $0x3  }
0x92: {  	_ =	strace s18  }
0x93: {  	s3 =	sld [smem:$0x3FFC];
	_ =	sdelay $0x3  }
0x94: {  	_ =	strace s3  }
0x95: {  	s3 =	sld [smem:$0x3FFD];
	_ =	sdelay $0x3  }
0x96: {  	_ =	strace s3  }
0x97: {  	_ =	strace $0x8FFFFFFF  }
0x98: {  	s19 =	sld [smem:$0x3FDB];
	_ =	sdelay $0x1  }
0x99: {  	s4 =	simm.s32 $_scs_section_size  }
0x9a: {  	s5 =	simm.s32 $_size__tile_overlayer_lowered;
	s6 =	simm.s32 $_tile_overlayer_lowered  }
0x9b: {  	s22 =	simm.s32 $0x1BFF;
	s21 =	sshll.u32 s6, $0x1;
	s3 =	sadd.s32 s4, s19  }
0x9c: {  	s7 =	simm.s32 $0x0;
	s20 =	sshll.u32 s5, $0x1;
	s5 =	sadd.s32 s21, s3  }
0x9d: {  	[timem:s7], [sflag:s22] =	dma.local [hbm:s5], s20  }
0x9e: {  	_ =	swait.ge [sflag:s22], s20  }
0x9f: {  	s4 =	ssub.s32 $0x0, s20;
	[sflag:s22] =	ssyncset.done $0x0  }
0xa0: {  	[sflag:s22] =	ssyncadd.s32 s4;
	_ =	sdelay $0x1  }
0xa1: {  	s23 =	simm.s32 $0x1B8B  }
0xa2: {  	_ =	swait.ge [sflag:s23], $0x1  }
0xa3: {  	[sflag:s23] =	ssyncset.done $0x0  }
0xa4: {  	s25 =	simm.s32 $0x1B8E;
	s24 =	sld [smem:$0x3FFE];
	[sflag:s23] =	ssyncadd.s32 $0xFFFFFFFF  }
0xa5: {  	s26 =	simm.s32 $execute0_lowered;
	[smem:$0x3FD2] =	sst s25  }
0xa6: {  	s5 =	sshll.u32 s26, $0x1;
	_ =	strace $0x80000049;
	[dreg:$0x1] =	wrdreg $0xFFFFFFFF  }
0xa7: {  	s28 =	simm.s32 $_size_execute0_lowered;
	s3 =	sadd.s32 s3, s5;
	[dreg:$0x0] =	wrdreg $0x0  }
0xa8: {  	s5 =	sshll.u32 s28, $0x1;
	[dreg:$0x2] =	wrdreg s3  }
0xa9: {  	[dreg:$0x3] =	wrdreg s5  }
0xaa: {  	[dreg:$0x4] =	wrdreg $0xC0  }
0xab: {  	_ =	task [dreg:s7], $0x5FFFF  }
0xac: {  	[dreg:$0x1] =	wrdreg $0xFFFFFFFF  }
0xad: {  	[dreg:$0x0] =	wrdreg $0x60  }
0xae: {  	[dreg:$0x2] =	wrdreg s2  }
0xaf: {  	[dreg:$0x3] =	wrdreg s24  }
0xb0: {  	[dreg:$0x4] =	wrdreg $0x1E8C00  }
0xb1: {  	[dreg:$0x5] =	wrdreg $0x9  }
0xb2: {  	_ =	task.clear_ibuf [dreg:s7], $0x6FFFF;
	_ =	strace $0x90000049  }
0xb3: {  	s29 =	simm.s32 $0x9;
	_ =	strace $0x8000004B  }
0xb4: {  	_ =	swait.ge [sflag:s29], $0x1  }
0xb5: {  	[sflag:s29] =	ssyncadd.s32 $0xFFFFFFFF  }
0xb6: {  	_ =	strace $0x9000004B  }
0xb7: {  	_ =	sfence  }
0xb8: {  	s30 =	sld [smem:$0x0];
	_ =	sdelay $0x2  }
0xb9: {  	s31 =	sshll.u32 s1, $0xD;
	s1 =	sshrl.u32 s1, $0x2  }
0xba: {  	s3 =	sand.u32 $0x4000, s31;
	s1 =	sadd.s32 s1, s30  }
0xbb: {  	s0 =	sor.u32 s3, s0;
	s1 =	sshll.u32 s1, $0x11  }
0xbc: {  	s0 =	sor.u32 s1, s0  }
0xbd: {  	s0 =	sadd.s32 $0x8F2B, s0  }
0xbe: {  	[sflag:s0] =	ssyncadd.remote.s32 $0x1  }
0xbf: {  	_ =	sfence.sel $0xFFFF  }
0xc0: {  	[dreg:$0x0] =	wrdreg $0xFFFFFFFF;
	(pc) =	sbr.abs _section_cstart, $3  }
0xc1: {  	[dreg:$0x1] =	wrdreg $0xFFFFFFFF  }
0xc2: {  	_ =	task.clear_ibuf [dreg:s7], $0x2FFFF;
	_ =	strace $0x9FFFFFFF  }
0xc3: {  	(tm) =	ssettm $0x7FFFFFFF  }
tec
execute0_lowered:
.L_overlay_start_1:
0x0: {  	(tag) =	ssettag $0x1  }
0x1: {  	s7 =	rddreg [dreg:$0x0]  }
0x2: {  	s4 =	rddreg [dreg:$0x1]  }
0x3: {  	s2 =	rddreg [dreg:$0x2]  }
0x4: {  	s0 =	rddreg [dreg:$0x3];
	s3 =	simm.s32 $0x0;
	s1 =	stileid.u32  }
0x5: {  	s5 =	srdreg.scid;
	s12 =	simm.s32 $0x1;
	s13 =	simm.s32 $0x1DEC0  }
0x6: {  	s14 =	simm.s32 $0x9C40;
	s15 =	simm.s32 $0x13880;
	s16 =	simm.s32 $0x0  }
0x7: {  	s6 =	smul.u32 $0xA00, s1;
	s5 =	sand.u32 $0x1, s5;
	s8 =	sshll.u32 s1, $0x1  }
0x8: {  	[smem:$0x7FF] =	sst s3;
	s8 =	sor.u32 s5, s8;
	s5 =	ssub.s32 $0x2, s5  }
0x9: {  	_ =	strace $0x8000004A;
	s9 =	sshrl.u32 s6, $0x3;
	s8 =	smul.u32 $0x1388, s8  }
0xa: {  	s10 =	sshrl.u32 s5, $0x1;
	s6 =	sadd.s32 s6, s2;
	s9 =	sadd.s32 s9, s4  }
0xb: {  	s10 =	ssub.s32 s5, s10;
	s11 =	sadd.s32 s8, s4;
	s4 =	sadd.s32 $0x29400, s9  }
0xc: {  	s5 =	sadd.s32 $0x2A800, s9;
	s7 =	sadd.s32 s7, s8;
	s10 =	smax.u32 s10, $0x1  }
0xd: {  	s8 =	sadd.s32 $0xE00, s11;
	s9 =	sadd.s32 $0x2BC00, s11;
	s11 =	simm.s32 $0x1D4C0  }
.LBB2_1:
0xe: {  	[tilespmem:s11], [sflag:$0x1] =	stream.linear.gather [hbm4b:s4+s3], $0xA00, $0x38;
	[tilespmem:$0x1F2C0] =	vst v63  }
0xf: {  	_ =	swait.ge [sflag:s12], $0xA00  }
0x10: {  	[sflag:s12] =	ssyncset.done $0x0  }
0x11: {  	[sflag:s12] =	ssyncadd.s32 $0xFFFFF600  }
0x12: {  	[tilespmem:s13], [sflag:$0x1] =	stream.linear.gather [hbm4b:s5+s3], $0xA00, $0x38;
	[tilespmem:$0x1F2C0] =	vst v63  }
0x13: {  	_ =	swait.ge [sflag:s12], $0xA00  }
0x14: {  	[sflag:s12] =	ssyncset.done $0x0  }
0x15: {  	s17 =	simm.s32 $0x1D500;
	[sflag:s12] =	ssyncadd.s32 $0xFFFFF600  }
0x16: {  	s18 =	simm.s32 $0x1DF00;
	v0 =	vld [tilespmem:s17+$0x30]  }
0x17: {  	v1 =	vld [tilespmem:s18+$0x30]  }
0x18: {  	v2 =	vld [tilespmem:s18+$0xFFFFFFC0]  }
0x19: {  	v3 =	vld [tilespmem:s17+$0xFFFFFFD0]  }
0x1a: {  	v4 =	vld [tilespmem:s18+$0xFFFFFFD0]  }
0x1b: {  	v5 =	vld [tilespmem:s17+$0xFFFFFFE0]  }
0x1c: {  	v6 =	vld [tilespmem:s18+$0xFFFFFFE0]  }
0x1d: {  	v7 =	vld [tilespmem:s17+$0xFFFFFFF0]  }
0x1e: {  	v8 =	vld [tilespmem:s18+$0xFFFFFFF0]  }
0x1f: {  	v9 =	vld [tilespmem:s17+$0x0];
	v0 =	vadd.f32 v1, v0  }
0x20: {  	v10 =	vld [tilespmem:s18+$0x0];
	v3 =	vadd.f32 v4, v3  }
0x21: {  	v11 =	vld [tilespmem:s17+$0x10];
	v5 =	vadd.f32 v6, v5;
	v0 =	vadd.f32 $1.000000020e-16, v0  }
0x22: {  	v1 =	vld [tilespmem:s18+$0x10];
	v3 =	vadd.f32 $1.000000020e-16, v3  }
0x23: {  	v4 =	vld [tilespmem:s17+$0x20];
	(erf) = vrcp.f32 v0;
	v0 =	vadd.f32 $1.000000020e-16, v5  }
0x24: {  	v6 =	vld [tilespmem:s18+$0x20];
	v7 =	vadd.f32 v8, v7;
	(erf) = vrcp.f32 v3  }
0x25: {  	v8 =	vld [tilespmem:s17+$0xFFFFFFC0];
	s18 =	simm.s32 $0x1D580;
	v5 =	vadd.f32 v10, v9;
	(erf) = vrcp.f32 v0  }
0x26: {  	s19 =	simm.s32 $0x1DF80;
	v59 =	vld [tilespmem:s18+$0x30];
	v3 =	vadd.f32 $1.000000020e-16, v7  }
0x27: {  	v7 =	vld [tilespmem:s19+$0x30];
	v1 =	vadd.f32 v1, v11;
	v5 =	vadd.f32 $1.000000020e-16, v5  }
0x28: {  	(erf) = vrcp.f32 v3;
	v3 =	vld [tilespmem:s18+$0xFFFFFFD0]  }
0x29: {  	v4 =	vadd.f32 v6, v4;
	v1 =	vadd.f32 $1.000000020e-16, v1;
	(erf) = vrcp.f32 v5;
	v5 =	vld [tilespmem:s19+$0xFFFFFFD0]  }
0x2a: {  	v12 =	vld [tilespmem:s19+$0x0];
	v2 =	vadd.f32 v2, v8  }
0x2b: {  	v60 =	vld [tilespmem:s18+$0xFFFFFFE0];
	v4 =	vadd.f32 $1.000000020e-16, v4;
	(erf) = vrcp.f32 v1  }
0x2c: {  	v2 =	vadd.f32 $1.000000020e-16, v2;
	v1 =	vld [tilespmem:s19+$0xFFFFFFE0];
	v7 =	vadd.f32 v7, v59;
	v61 =	vpop (erf)  }
0x2d: {  	v6 =	vld [tilespmem:s18+$0xFFFFFFF0];
	v63 =	vpop (erf);
	(erf) = vrcp.f32 v4  }
0x2e: {  	v8 =	vld [tilespmem:s19+$0xFFFFFFF0];
	v3 =	vadd.f32 v5, v3;
	v4 =	vadd.f32 $1.000000020e-16, v7;
	v5 =	vpop (erf);
	(erf) = vrcp.f32 v2  }
0x2f: {  	v62 =	vld [tilespmem:s18+$0x0]  }
0x30: {  	v0 =	vld [tilespmem:s19+$0xFFFFFFC0];
	[tilespmem:s17+$0x30] =	vst v61;
	(erf) = vrcp.f32 v4  }
0x31: {  	v7 =	vadd.f32 v1, v60;
	v1 =	vld [tilespmem:s18+$0x10];
	[tilespmem:s17+$0xFFFFFFE0] =	vst v5;
	v5 =	vadd.f32 $1.000000020e-16, v3  }
0x32: {  	[tilespmem:s17+$0xFFFFFFD0] =	vst v63;
	v2 =	vpop (erf);
	v3 =	vld [tilespmem:s19+$0x10]  }
0x33: {  	v6 =	vadd.f32 v8, v6;
	v10 =	vadd.f32 $1.000000020e-16, v7;
	[tilespmem:s17+$0xFFFFFFF0] =	vst v2;
	v2 =	vld [tilespmem:s18+$0x20];
	v4 =	vpop (erf);
	(erf) = vrcp.f32 v5  }
0x34: {  	v5 =	vld [tilespmem:s19+$0x20];
	[tilespmem:s17+$0x0] =	vst v4;
	v8 =	vpop (erf)  }
0x35: {  	s20 =	simm.s32 $0x80;
	s21 =	simm.s32 $0x1D600;
	v6 =	vadd.f32 $1.000000020e-16, v6;
	v7 =	vadd.f32 v12, v62;
	v4 =	vld [tilespmem:s18+$0xFFFFFFC0];
	(erf) = vrcp.f32 v10;
	[tilespmem:s17+$0x10] =	vst v8  }
.LBB2_2:
0x36: {  	v8 =	vld [tilespmem:s21+$0x30];
	s19 =	sadd.s32 $0x80, s19;
	v9 =	vpop (erf)  }
0x37: {  	s20 =	sadd.s32 $0x80, s20;
	v10 =	vld [tilespmem:s19+$0x30];
	v7 =	vadd.f32 $1.000000020e-16, v7;
	v1 =	vadd.f32 v3, v1;
	(erf) = vrcp.f32 v6;
	[tilespmem:s17+$0x20] =	vst v9;
	v3 =	vpop (erf)  }
0x38: {  	p0 =	slt.u32 s20, $0x980;
	v6 =	vld [tilespmem:s19+$0xFFFFFFC0];
	[tilespmem:s17+$0xFFFFFFC0] =	vst v3;
	s17 =	smov.u32 s18;
	s18 =	smov.u32 s21  }
0x39: {  	v3 =	vld [tilespmem:s21+$0xFFFFFFD0];
	v1 =	vadd.f32 $1.000000020e-16, v1;
	v2 =	vadd.f32 v5, v2;
	(erf) = vrcp.f32 v7;
	v5 =	vpop (erf)  }
0x3a: {  	v7 =	vld [tilespmem:s19+$0xFFFFFFD0];
	v9 =	vadd.f32 v0, v4;
	[tilespmem:s17+$0x30] =	vst v5  }
0x3b: {  	v4 =	vld [tilespmem:s21+$0xFFFFFFE0];
	v2 =	vadd.f32 $1.000000020e-16, v2;
	(erf) = vrcp.f32 v1  }
0x3c: {  	v1 =	vld [tilespmem:s19+$0xFFFFFFE0];
	v5 =	vadd.f32 v10, v8;
	v8 =	vadd.f32 $1.000000020e-16, v9;
	v0 =	vpop (erf)  }
0x3d: {  	v9 =	vld [tilespmem:s21+$0xFFFFFFF0];
	[tilespmem:s17+$0xFFFFFFD0] =	vst v0;
	(erf) = vrcp.f32 v2;
	v0 =	vmov v6  }
0x3e: {  	v2 =	vld [tilespmem:s19+$0xFFFFFFF0];
	v10 =	vadd.f32 $1.000000020e-16, v5;
	(erf) = vrcp.f32 v8;
	v6 =	vpop (erf)  }
0x3f: {  	v3 =	vadd.f32 v7, v3;
	v7 =	vld [tilespmem:s21+$0x0];
	[tilespmem:s17+$0xFFFFFFE0] =	vst v6  }
0x40: {  	v8 =	vld [tilespmem:s19+$0x0];
	(erf) = vrcp.f32 v10;
	v5 =	vpop (erf)  }
.Ltmp0:
0x41: {  	v6 =	vadd.f32 $1.000000020e-16, v3;
	v4 =	vadd.f32 v1, v4;
	v1 =	vld [tilespmem:s21+$0x10];
	[tilespmem:s17+$0xFFFFFFF0] =	vst v5;
	(pc) =	sbr.rel @p0 .LBB2_2-.Ltmp0, $4  }
0x42: {  	v3 =	vld [tilespmem:s19+$0x10];
	v5 =	vpop (erf)  }
0x43: {  	v10 =	vadd.f32 $1.000000020e-16, v4;
	v9 =	vadd.f32 v2, v9;
	v2 =	vld [tilespmem:s21+$0x20];
	(erf) = vrcp.f32 v6;
	[tilespmem:s17+$0x0] =	vst v5  }
0x44: {  	v5 =	vld [tilespmem:s19+$0x20];
	v11 =	vpop (erf)  }
0x45: {  	s21 =	sadd.s32 $0x80, s21;
	v4 =	vld [tilespmem:s18+$0xFFFFFFC0];
	v6 =	vadd.f32 $1.000000020e-16, v9;
	v7 =	vadd.f32 v8, v7;
	(erf) = vrcp.f32 v10;
	[tilespmem:s17+$0x10] =	vst v11  }
0x46: {  	_ =	sdelay $0x2  }
0x47: {  	v1 =	vadd.f32 v3, v1;
	v3 =	vadd.f32 $1.000000020e-16, v7  }
0x48: {  	v2 =	vadd.f32 v5, v2;
	v0 =	vadd.f32 v0, v4  }
0x49: {  	(erf) = vrcp.f32 v6;
	v1 =	vadd.f32 $1.000000020e-16, v1  }
0x4a: {  	(erf) = vrcp.f32 v3;
	v2 =	vadd.f32 $1.000000020e-16, v2;
	v0 =	vadd.f32 $1.000000020e-16, v0  }
0x4b: {  	(erf) = vrcp.f32 v1  }
0x4c: {  	(erf) = vrcp.f32 v2  }
0x4d: {  	v1 =	vpop (erf);
	(erf) = vrcp.f32 v0  }
0x4e: {  	[tilespmem:s17+$0x20] =	vst v1;
	v0 =	vpop (erf)  }
0x4f: {  	v1 =	vpop (erf);
	[tilespmem:s17+$0xFFFFFFC0] =	vst v0  }
0x50: {  	v0 =	vpop (erf);
	[tilespmem:s18+$0x30] =	vst v1  }
0x51: {  	[tilespmem:s18+$0xFFFFFFD0] =	vst v0;
	v0 =	vpop (erf)  }
0x52: {  	[tilespmem:s18+$0xFFFFFFE0] =	vst v0;
	v0 =	vpop (erf)  }
0x53: {  	[tilespmem:s18+$0xFFFFFFF0] =	vst v0;
	v0 =	vpop (erf)  }
0x54: {  	[tilespmem:s18+$0x0] =	vst v0;
	v0 =	vpop (erf)  }
0x55: {  	[tilespmem:s18+$0x10] =	vst v0;
	v0 =	vpop (erf)  }
0x56: {  	[tilespmem:s18+$0x20] =	vst v0;
	v0 =	vpop (erf)  }
0x57: {  	[tilespmem:s18+$0xFFFFFFC0] =	vst v0  }
0x58: {  	[spmem:s6] =	stream.linear.scatter [tilespmem:s11], [sflag:$0x1], $0xA00, $0x38;
	[tilespmem:$0x1F2C0] =	vst v63  }
0x59: {  	_ =	swait.ge [sflag:s12], $0xA00  }
0x5a: {  	[sflag:s12] =	ssyncset.done $0x0  }
0x5b: {  	[sflag:s12] =	ssyncadd.s32 $0xFFFFF600  }
0x5c: {  	[bflag:$0x0] =	sbarrier.arrive $0xFFFF  }
0x5d: {  	[tilespmem:s3], [sflag:$0x1] =	stream.linear.gather [hbm4b:s7+s3], $0x9C40, $0x38;
	[tilespmem:$0x1F2C0] =	vst v63  }
0x5e: {  	_ =	swait.ge [sflag:s12], $0x9C40  }
0x5f: {  	[sflag:s12] =	ssyncset.done $0x0  }
0x60: {  	[sflag:s12] =	ssyncadd.s32 $0xFFFF63C0  }
0x61: {  	[tilespmem:s14], [sflag:$0x1] =	stream.linear.gather [hbm4b:s8+s3], $0x9C40, $0x38;
	[tilespmem:$0x1F2C0] =	vst v63  }
0x62: {  	_ =	swait.ge [sflag:s12], $0x9C40  }
0x63: {  	[sflag:s12] =	ssyncset.done $0x0  }
0x64: {  	[sflag:s12] =	ssyncadd.s32 $0xFFFF63C0  }
0x65: {  	[tilespmem:s15], [sflag:$0x1] =	stream.indirect.gather [spmem:s2], $0x1, s14, s14, $0xb8;
	[tilespmem:$0x1F2C0] =	vst v63  }
0x66: {  	_ =	swait.ge [sflag:s12], $0x9C40  }
0x67: {  	[sflag:s12] =	ssyncset.done $0x0  }
0x68: {  	s17 =	simm.s32 $0x40;
	[sflag:s12] =	ssyncadd.s32 $0xFFFF63C0  }
0x69: {  	s18 =	simm.s32 $0x138C0;
	v1 =	vld [tilespmem:s17+$0x30]  }
0x6a: {  	v2 =	vld [tilespmem:s18+$0x30]  }
0x6b: {  	v0 =	vld [tilespmem:s18+$0xFFFFFFC0]  }
0x6c: {  	v3 =	vld [tilespmem:s17+$0xFFFFFFD0]  }
0x6d: {  	v4 =	vld [tilespmem:s18+$0xFFFFFFD0]  }
0x6e: {  	v5 =	vld [tilespmem:s17+$0xFFFFFFE0]  }
0x6f: {  	v6 =	vld [tilespmem:s18+$0xFFFFFFE0]  }
0x70: {  	v7 =	vld [tilespmem:s17+$0xFFFFFFF0]  }
0x71: {  	v8 =	vld [tilespmem:s18+$0xFFFFFFF0]  }
0x72: {  	v9 =	vld [tilespmem:s17+$0x0]  }
0x73: {  	v10 =	vld [tilespmem:s18+$0x0];
	v2 =	vmul.f32 v2, v1  }
0x74: {  	v4 =	vmul.f32 v4, v3;
	v1 =	vld [tilespmem:s17+$0x10]  }
0x75: {  	v5 =	vmul.f32 v6, v5;
	v3 =	vld [tilespmem:s18+$0x10];
	[tilespmem:s17+$0x30] =	vst v2  }
0x76: {  	v6 =	vmul.f32 v8, v7;
	[tilespmem:s17+$0xFFFFFFD0] =	vst v4;
	v2 =	vld [tilespmem:s17+$0x20]  }
0x77: {  	s22 =	simm.s32 $0x0;
	s19 =	simm.s32 $0x9BF0;
	[tilespmem:s17+$0xFFFFFFE0] =	vst v5;
	v4 =	vld [tilespmem:s18+$0x20]  }
0x78: {  	s20 =	simm.s32 $0x1D480;
	s21 =	simm.s32 $0x9C00;
	s23 =	simm.s32 $0xC0;
	v5 =	vld [tilespmem:s17+$0xFFFFFFC0];
	[tilespmem:s17+$0xFFFFFFF0] =	vst v6;
	v6 =	vmul.f32 v10, v9  }
.LBB2_4:
0x79: {  	v7 =	vld [tilespmem:s23+$0x30];
	s18 =	sadd.s32 $0x80, s18  }
0x7a: {  	s22 =	sadd.s32 $0x80, s22;
	v8 =	vld [tilespmem:s18+$0x30];
	[tilespmem:s17+$0x0] =	vst v6;
	v1 =	vmul.f32 v3, v1  }
0x7b: {  	p0 =	slt.u32 s22, $0x9B80;
	v3 =	vld [tilespmem:s18+$0xFFFFFFC0]  }
0x7c: {  	v6 =	vld [tilespmem:s23+$0xFFFFFFD0];
	[tilespmem:s17+$0x10] =	vst v1;
	v1 =	vmul.f32 v4, v2  }
0x7d: {  	v2 =	vld [tilespmem:s18+$0xFFFFFFD0];
	v9 =	vmul.f32 v0, v5  }
0x7e: {  	v4 =	vld [tilespmem:s23+$0xFFFFFFE0];
	[tilespmem:s17+$0x20] =	vst v1  }
0x7f: {  	v1 =	vld [tilespmem:s18+$0xFFFFFFE0];
	v5 =	vmul.f32 v8, v7;
	[tilespmem:s17+$0xFFFFFFC0] =	vst v9;
	s17 =	smov.u32 s23  }
0x80: {  	v7 =	vld [tilespmem:s23+$0xFFFFFFF0];
	v0 =	vmov v3  }
0x81: {  	v8 =	vld [tilespmem:s18+$0xFFFFFFF0];
	[tilespmem:s23+$0x30] =	vst v5  }
0x82: {  	v2 =	vmul.f32 v2, v6;
	v6 =	vld [tilespmem:s23+$0x0]  }
0x83: {  	v9 =	vld [tilespmem:s18+$0x0]  }
.Ltmp1:
0x84: {  	[tilespmem:s23+$0xFFFFFFD0] =	vst v2;
	v2 =	vmul.f32 v1, v4;
	v1 =	vld [tilespmem:s23+$0x10];
	(pc) =	sbr.rel @p0 .LBB2_4-.Ltmp1, $4  }
0x85: {  	v3 =	vld [tilespmem:s18+$0x10]  }
0x86: {  	[tilespmem:s23+$0xFFFFFFE0] =	vst v2;
	v7 =	vmul.f32 v8, v7;
	v2 =	vld [tilespmem:s23+$0x20]  }
0x87: {  	v4 =	vld [tilespmem:s18+$0x20]  }
0x88: {  	s23 =	sadd.s32 $0x80, s23;
	v5 =	vld [tilespmem:s17+$0xFFFFFFC0];
	[tilespmem:s17+$0xFFFFFFF0] =	vst v7;
	v6 =	vmul.f32 v9, v6  }
0x89: {  	_ =	sdelay $0x1  }
0x8a: {  	v1 =	vmul.f32 v3, v1  }
0x8b: {  	[tilespmem:s17+$0x0] =	vst v6;
	v2 =	vmul.f32 v4, v2  }
0x8c: {  	[tilespmem:s17+$0x10] =	vst v1;
	v0 =	vmul.f32 v0, v5  }
0x8d: {  	[tilespmem:s17+$0x20] =	vst v2  }
0x8e: {  	[tilespmem:s17+$0xFFFFFFC0] =	vst v0  }
.LBB2_6:
0x8f: {  	v0 =	vld [tilespmem:s21+$0x0]  }
0x90: {  	v1 =	vld [tilespmem:s20+$0x0]  }
0x91: {  	s19 =	sadd.s32 $0x10, s19  }
0x92: {  	p0 =	slt.u32 s19, $0x9C30  }
.Ltmp2:
0x93: {  	_ = 	snop;
	(pc) =	sbr.rel @p0 .LBB2_6-.Ltmp2, $3  }
0x94: {  	_ = 	snop  }
0x95: {  	v0 =	vmul.f32 v1, v0;
	_ =	sdelay $0x1  }
0x96: {  	s20 =	sadd.s32 $0x10, s20;
	[tilespmem:s21+$0x0] =	vst v0;
	s21 =	sadd.s32 $0x10, s21  }
0x97: {  	s16 =	sadd.s32 $0x1, s16  }
0x98: {  	p0 =	sne.s32 s16, s10  }
.Ltmp3:
0x99: {  	_ = 	snop;
	(pc) =	sbr.rel @p0 .LBB2_1-.Ltmp3, $4  }
0x9a: {  	[hbm4b:s9+s3] =	stream.linear.scatter [tilespmem:s3], [sflag:$0x1], $0x9C40, $0x38;
	[tilespmem:$0x1F2C0] =	vst v63  }
0x9b: {  	_ =	swait.ge [sflag:s12], $0x9C40  }
0x9c: {  	[sflag:s12] =	ssyncset.done $0x0  }
0x9d: {  	[sflag:s12] =	ssyncadd.s32 $0xFFFF63C0  }
0x9e: {  	_ =	sfence.sel $0x180000  }
0x9f: {  	[bflag:$0x0] =	sbarrier.arrive $0xFFFF  }
0xa0: {  	p0 =	sne.s32 s1, $0x0;
	_ =	strace $0x9000004A  }
0xa1: {  	s0 =	sadd.s32 @!p0 $0x100000, s0;
	[bflag:$0x2] =	sbarrier.arrive $0xFFFF  }
0xa2: {  	[sflag:s0] =	ssyncadd.tile.s32 @!p0 $0x1;
	_ =	shalt  }
.Lfunc_end2:
_tile_overlayer_lowered:
.L_overlay_start_2:
0xa3: {  	(tag) =	ssettag $0x2  }
0xa4: {  	s0 =	rddreg [dreg:$0x0];
	s2 =	stileid.u32  }
0xa5: {  	s1 =	rddreg [dreg:$0x1];
	p0 =	sne.s32 s2, $0x0  }
0xa6: {  	s3 =	rddreg [dreg:$0x2];
	[bflag:$0x3] =	sbarrier.arrive $0xFFFF;
	s2 =	simm.s32 @!p0 $0x1C01  }
0xa7: {  	[timem:s3], [sflag:s2] =	dma.local @!p0 [hbm:s0], s1  }
0xa8: {  	s0 =	simm.s32 @!p0 $0x1  }
0xa9: {  	_ =	swait.ge @!p0 [sflag:s0], s1  }
0xaa: {  	s1 =	ssub.s32 @!p0 $0x0, s1;
	[sflag:s0] =	ssyncset.done @!p0 $0x0  }
0xab: {  	[sflag:s0] =	ssyncadd.s32 @!p0 s1  }
0xac: {  	[bflag:$0x3] =	sbarrier.arrive $0xFFFF  }
0xad: {  	_ =	shalt  }

</sc_bundles>
